<compile_context>
chip_gen: v7x
topology: tpu7x:2x2x1
jax: 0.10.2.dev20260603
libtpu: 0.0.44.dev20260713+nightly
codegen_flags: <defaults>
</compile_context>

<pallas_src>
import functools

import jax
import jax.numpy as jnp
from jax import lax
from jax.experimental import pallas as pl
from jax.experimental.pallas import tpu as pltpu
from jax.experimental.pallas import tpu_sc as plsc

BATCH = 16384
VOCAB = 1000
VPAD = 1024
L = 16
NC, NS = 2, 16
NW = NC * NS
CHUNK = BATCH // NW


def _lr_body(uid_hbm, iid_hbm, hs_u_hbm, hs_i_hbm, bu_hbm, cu_hbm,
             bi_hbm, ci_hbm, wu_hbm, wi_hbm, out_hbm,
             hs_v, b_v, c_v, w_v, fused_v, tab_v,
             uid_v, iid_v, out_v, shared, sem, sem_ids):
    sid = lax.axis_index("s")
    cid = lax.axis_index("c")
    wid = sid * NC + cid
    base = wid * CHUNK

    id_copies = [
        pltpu.async_copy(uid_hbm.at[pl.ds(base, CHUNK)], uid_v, sem_ids),
        pltpu.async_copy(iid_hbm.at[pl.ds(base, CHUNK)], iid_v, sem_ids),
    ]

    SEG = 512

    def fuse_segment(hs_hbm, b_hbm, c_hbm, w_hbm, row, off, n):
        copies = [
            pltpu.async_copy(hs_hbm.at[pl.ds(off, n)], hs_v.at[pl.ds(0, n)], sem),
            pltpu.async_copy(b_hbm.at[pl.ds(off, n)], b_v.at[pl.ds(0, n)], sem),
            pltpu.async_copy(c_hbm.at[pl.ds(off, n)], c_v.at[pl.ds(0, n)], sem),
            pltpu.async_copy(w_hbm.at[pl.ds(off, n)], w_v.at[pl.ds(0, n)], sem),
        ]
        for cp in copies:
            cp.wait()

        @plsc.parallel_loop(0, SEG, step=L, unroll=4)
        def _(j):
            s = pl.ds(j, L)
            fused_v[s] = w_v[s] * (b_v[s] * hs_v[s] + c_v[s])

        pltpu.sync_copy(fused_v, shared.at[pl.ds(row * VPAD + off, SEG)])

    user_tabs = (hs_u_hbm, bu_hbm, cu_hbm, wu_hbm)
    item_tabs = (hs_i_hbm, bi_hbm, ci_hbm, wi_hbm)
    for k in range(2):
        off = k * SEG
        n = min(SEG, VOCAB - off)

        @pl.when(sid == k)
        def _(off=off, n=n):
            fuse_segment(*user_tabs, 0, off, n)

        @pl.when(sid == 2 + k)
        def _(off=off, n=n):
            fuse_segment(*item_tabs, 1, off, n)

    plsc.subcore_barrier()

    pltpu.async_copy(shared, tab_v, sem).wait()
    for cp in id_copies:
        cp.wait()

    @plsc.parallel_loop(0, CHUNK, step=L, unroll=4)
    def _(i):
        s = pl.ds(i, L)
        out_v[s] = (plsc.load_gather(tab_v, [uid_v[s] - 1])
                    + plsc.load_gather(tab_v, [iid_v[s] + (VPAD - 1)]))

    pltpu.sync_copy(out_v, out_hbm.at[pl.ds(base, CHUNK)])


@functools.partial(
    pl.kernel,
    out_type=jax.ShapeDtypeStruct((BATCH,), jnp.float32),
    mesh=plsc.VectorSubcoreMesh(core_axis_name="c", subcore_axis_name="s"),
    compiler_params=pltpu.CompilerParams(needs_layout_passes=False),
    scratch_types=[pltpu.VMEM((512,), jnp.float32) for _ in range(5)]
    + [pltpu.VMEM((2 * VPAD,), jnp.float32)]
    + [pltpu.VMEM((CHUNK,), jnp.int32) for _ in range(2)]
    + [pltpu.VMEM((CHUNK,), jnp.float32),
       pltpu.VMEM_SHARED((2 * VPAD,), jnp.float32),
       pltpu.SemaphoreType.DMA, pltpu.SemaphoreType.DMA],
)
def _lr_kernel(*refs):
    _lr_body(*refs)


def kernel(user_id, item_id, user_hs, item_hs, beta_u, bias_u,
           beta_i, bias_i, user_weight, item_weight):
    out = _lr_kernel(user_id, item_id, user_hs.reshape(-1), item_hs.reshape(-1),
                     beta_u.reshape(-1), bias_u.reshape(-1),
                     beta_i.reshape(-1), bias_i.reshape(-1),
                     user_weight.reshape(-1), item_weight.reshape(-1))
    return out.reshape(BATCH, 1)

# --- scband reference (transcript-rebuilt; emitter-appended) ---
"""Pipeline reference for scband-lr-layer-86620900425728 (READ-ONLY COPY).

The authoritative reference and input builder live on the scoring server;
editing this copy changes nothing except your own understanding.
"""

import jax, jax.numpy as jnp
import numpy as np

USER_NUM = 1000
ITEM_NUM = 1000
BATCH = 16384


def setup_inputs(seed: int = 0) -> dict:
    key = jax.random.key(seed)
    ks = jax.random.split(key, 8)
    # ids are 1-indexed in the original module (it looks up id - 1)
    user_id = jax.random.randint(ks[0], (BATCH,), 1, USER_NUM + 1, dtype=jnp.int32)
    item_id = jax.random.randint(ks[1], (BATCH,), 1, ITEM_NUM + 1, dtype=jnp.int32)
    # highest_score = (user_hs, item_hs); constant 5 per init_kwargs
    user_hs = jnp.full((USER_NUM,), 5.0, dtype=jnp.float32)
    item_hs = jnp.full((ITEM_NUM,), 5.0, dtype=jnp.float32)
    # learned per-id parameter tables, shape (vocab, 1), random_normal init
    beta_u = jax.random.normal(ks[2], (USER_NUM, 1), dtype=jnp.float32) * 0.05
    bias_u = jax.random.normal(ks[3], (USER_NUM, 1), dtype=jnp.float32) * 0.05
    beta_i = jax.random.normal(ks[4], (ITEM_NUM, 1), dtype=jnp.float32) * 0.05
    bias_i = jax.random.normal(ks[5], (ITEM_NUM, 1), dtype=jnp.float32) * 0.05
    user_weight = jax.random.normal(ks[6], (USER_NUM, 1), dtype=jnp.float32) * 0.05
    item_weight = jax.random.normal(ks[7], (ITEM_NUM, 1), dtype=jnp.float32) * 0.05
    return {
        "user_id": user_id,
        "item_id": item_id,
        "user_hs": user_hs,
        "item_hs": item_hs,
        "beta_u": beta_u,
        "bias_u": bias_u,
        "beta_i": beta_i,
        "bias_i": bias_i,
        "user_weight": user_weight,
        "item_weight": item_weight,
    }


def reference(user_id, item_id, user_hs, item_hs, beta_u, bias_u, beta_i, bias_i, user_weight, item_weight):
    uid = user_id - 1
    iid = item_id - 1
    # embedding lookups (gathers)
    Xu = jnp.take(user_hs, uid, axis=0).astype(jnp.float32)
    user_beta = jnp.take(beta_u, uid, axis=0)
    user_bias = jnp.take(bias_u, uid, axis=0)
    Xi = jnp.take(item_hs, iid, axis=0).astype(jnp.float32)
    item_beta = jnp.take(beta_i, iid, axis=0)
    item_bias = jnp.take(bias_i, iid, axis=0)
    a = jnp.take(user_weight, uid, axis=0)
    b = jnp.take(item_weight, iid, axis=0)
    Yu = user_beta * Xu.reshape(-1, 1) + user_bias
    Yi = item_beta * Xi.reshape(-1, 1) + item_bias
    outputs = a * Yu + b * Yi
    return outputs

if __name__ == "__main__":
    import jax
    _d = setup_inputs()
    print(jax.jit(kernel)(*tuple(_d.values())))

</pallas_src>

<mosaic_0001>
#map = affine_map<(d0, d1) -> (0)>
module attributes {stable_mosaic.version = 14 : i64} {
  func.func @_lr_kernel(%arg0: i32, %arg1: i32, %arg2: memref<16384xi32, #tpu.memory_space<hbm>>, %arg3: memref<16384xi32, #tpu.memory_space<hbm>>, %arg4: memref<1000xf32, #tpu.memory_space<hbm>>, %arg5: memref<1000xf32, #tpu.memory_space<hbm>>, %arg6: memref<1000xf32, #tpu.memory_space<hbm>>, %arg7: memref<1000xf32, #tpu.memory_space<hbm>>, %arg8: memref<1000xf32, #tpu.memory_space<hbm>>, %arg9: memref<1000xf32, #tpu.memory_space<hbm>>, %arg10: memref<1000xf32, #tpu.memory_space<hbm>>, %arg11: memref<1000xf32, #tpu.memory_space<hbm>>, %arg12: memref<16384xf32, #tpu.memory_space<hbm>>, %arg13: memref<512xf32, #tpu.memory_space<vmem>>, %arg14: memref<512xf32, #tpu.memory_space<vmem>>, %arg15: memref<512xf32, #tpu.memory_space<vmem>>, %arg16: memref<512xf32, #tpu.memory_space<vmem>>, %arg17: memref<512xf32, #tpu.memory_space<vmem>>, %arg18: memref<2048xf32, #tpu.memory_space<vmem>>, %arg19: memref<512xi32, #tpu.memory_space<vmem>>, %arg20: memref<512xi32, #tpu.memory_space<vmem>>, %arg21: memref<512xf32, #tpu.memory_space<vmem>>, %arg22: memref<2048xf32, #tpu.memory_space<vmem_shared>>, %arg23: memref<!tpu.dma_semaphore, #tpu.memory_space<semaphore_mem>>, %arg24: memref<!tpu.dma_semaphore, #tpu.memory_space<semaphore_mem>>) attributes {dimension_semantics = [#tpu.dimension_semantics<core_parallel>, #tpu.dimension_semantics<subcore_parallel>], iteration_bounds = array<i64: 2, 16>, scalar_prefetch = 0 : i64, scratch_operands = 12 : i64, tpu.core_type = #tpu.core_type<sc_vector_subcore>, window_params = [{transform_indices = #map}, {transform_indices = #map}, {transform_indices = #map}, {transform_indices = #map}, {transform_indices = #map}, {transform_indices = #map}, {transform_indices = #map}, {transform_indices = #map}, {transform_indices = #map}, {transform_indices = #map}, {transform_indices = #map}]} {
    %mul3A = arith.constant 2 : i32
    %mul3A_0 = arith.muli %arg1, %mul3A : i32
    %add3A = arith.addi %mul3A_0, %arg0 : i32
    %mul3A_1 = arith.constant 512 : i32
    %mul3A_2 = arith.muli %add3A, %mul3A_1 : i32
    %dma_start3A = tpu.memref_slice %arg2[%mul3A_2] : memref<16384xi32, #tpu.memory_space<hbm>> -> memref<512xi32, #tpu.memory_space<hbm>>
    %dma_start3A_3 = tpu.memref_slice %arg2[%mul3A_2] : memref<16384xi32, #tpu.memory_space<hbm>> -> memref<512xi32, #tpu.memory_space<hbm>>
    tpu.enqueue_dma source(%dma_start3A_3 : memref<512xi32, #tpu.memory_space<hbm>>) target(%arg19 : memref<512xi32, #tpu.memory_space<vmem>>) target_semaphore(%arg24 : memref<!tpu.dma_semaphore, #tpu.memory_space<semaphore_mem>>)
    %dma_start3A_4 = tpu.memref_slice %arg3[%mul3A_2] : memref<16384xi32, #tpu.memory_space<hbm>> -> memref<512xi32, #tpu.memory_space<hbm>>
    %dma_start3A_5 = tpu.memref_slice %arg3[%mul3A_2] : memref<16384xi32, #tpu.memory_space<hbm>> -> memref<512xi32, #tpu.memory_space<hbm>>
    tpu.enqueue_dma source(%dma_start3A_5 : memref<512xi32, #tpu.memory_space<hbm>>) target(%arg20 : memref<512xi32, #tpu.memory_space<vmem>>) target_semaphore(%arg24 : memref<!tpu.dma_semaphore, #tpu.memory_space<semaphore_mem>>)
    %eq3A = arith.constant 0 : i32
    %eq3A_6 = arith.cmpi eq, %arg1, %eq3A : i32
    %convert_element_type3A = arith.extui %eq3A_6 : i1 to i32
    %cond3A = arith.constant 0 : i32
    %cond3A_7 = arith.cmpi ne, %convert_element_type3A, %cond3A : i32
    scf.if %cond3A_7 {
      %dma_start3A_28 = arith.constant 0 : i32
      %dma_start3A_29 = tpu.memref_slice %arg13[%dma_start3A_28] : memref<512xf32, #tpu.memory_space<vmem>> -> memref<512xf32, #tpu.memory_space<vmem>>
      %dma_start3A_30 = arith.constant 0 : i32
      %dma_start3A_31 = tpu.memref_slice %arg4[%dma_start3A_30] : memref<1000xf32, #tpu.memory_space<hbm>> -> memref<512xf32, #tpu.memory_space<hbm>>
      %dma_start3A_32 = arith.constant 0 : i32
      %dma_start3A_33 = tpu.memref_slice %arg13[%dma_start3A_32] : memref<512xf32, #tpu.memory_space<vmem>> -> memref<512xf32, #tpu.memory_space<vmem>>
      %dma_start3A_34 = arith.constant 0 : i32
      %dma_start3A_35 = tpu.memref_slice %arg4[%dma_start3A_34] : memref<1000xf32, #tpu.memory_space<hbm>> -> memref<512xf32, #tpu.memory_space<hbm>>
      tpu.enqueue_dma source(%dma_start3A_35 : memref<512xf32, #tpu.memory_space<hbm>>) target(%dma_start3A_33 : memref<512xf32, #tpu.memory_space<vmem>>) target_semaphore(%arg23 : memref<!tpu.dma_semaphore, #tpu.memory_space<semaphore_mem>>)
      %dma_start3A_36 = arith.constant 0 : i32
      %dma_start3A_37 = tpu.memref_slice %arg14[%dma_start3A_36] : memref<512xf32, #tpu.memory_space<vmem>> -> memref<512xf32, #tpu.memory_space<vmem>>
      %dma_start3A_38 = arith.constant 0 : i32
      %dma_start3A_39 = tpu.memref_slice %arg6[%dma_start3A_38] : memref<1000xf32, #tpu.memory_space<hbm>> -> memref<512xf32, #tpu.memory_space<hbm>>
      %dma_start3A_40 = arith.constant 0 : i32
      %dma_start3A_41 = tpu.memref_slice %arg14[%dma_start3A_40] : memref<512xf32, #tpu.memory_space<vmem>> -> memref<512xf32, #tpu.memory_space<vmem>>
      %dma_start3A_42 = arith.constant 0 : i32
      %dma_start3A_43 = tpu.memref_slice %arg6[%dma_start3A_42] : memref<1000xf32, #tpu.memory_space<hbm>> -> memref<512xf32, #tpu.memory_space<hbm>>
      tpu.enqueue_dma source(%dma_start3A_43 : memref<512xf32, #tpu.memory_space<hbm>>) target(%dma_start3A_41 : memref<512xf32, #tpu.memory_space<vmem>>) target_semaphore(%arg23 : memref<!tpu.dma_semaphore, #tpu.memory_space<semaphore_mem>>)
      %dma_start3A_44 = arith.constant 0 : i32
      %dma_start3A_45 = tpu.memref_slice %arg15[%dma_start3A_44] : memref<512xf32, #tpu.memory_space<vmem>> -> memref<512xf32, #tpu.memory_space<vmem>>
      %dma_start3A_46 = arith.constant 0 : i32
      %dma_start3A_47 = tpu.memref_slice %arg7[%dma_start3A_46] : memref<1000xf32, #tpu.memory_space<hbm>> -> memref<512xf32, #tpu.memory_space<hbm>>
      %dma_start3A_48 = arith.constant 0 : i32
      %dma_start3A_49 = tpu.memref_slice %arg15[%dma_start3A_48] : memref<512xf32, #tpu.memory_space<vmem>> -> memref<512xf32, #tpu.memory_space<vmem>>
      %dma_start3A_50 = arith.constant 0 : i32
      %dma_start3A_51 = tpu.memref_slice %arg7[%dma_start3A_50] : memref<1000xf32, #tpu.memory_space<hbm>> -> memref<512xf32, #tpu.memory_space<hbm>>
      tpu.enqueue_dma source(%dma_start3A_51 : memref<512xf32, #tpu.memory_space<hbm>>) target(%dma_start3A_49 : memref<512xf32, #tpu.memory_space<vmem>>) target_semaphore(%arg23 : memref<!tpu.dma_semaphore, #tpu.memory_space<semaphore_mem>>)
      %dma_start3A_52 = arith.constant 0 : i32
      %dma_start3A_53 = tpu.memref_slice %arg16[%dma_start3A_52] : memref<512xf32, #tpu.memory_space<vmem>> -> memref<512xf32, #tpu.memory_space<vmem>>
      %dma_start3A_54 = arith.constant 0 : i32
      %dma_start3A_55 = tpu.memref_slice %arg10[%dma_start3A_54] : memref<1000xf32, #tpu.memory_space<hbm>> -> memref<512xf32, #tpu.memory_space<hbm>>
      %dma_start3A_56 = arith.constant 0 : i32
      %dma_start3A_57 = tpu.memref_slice %arg16[%dma_start3A_56] : memref<512xf32, #tpu.memory_space<vmem>> -> memref<512xf32, #tpu.memory_space<vmem>>
      %dma_start3A_58 = arith.constant 0 : i32
      %dma_start3A_59 = tpu.memref_slice %arg10[%dma_start3A_58] : memref<1000xf32, #tpu.memory_space<hbm>> -> memref<512xf32, #tpu.memory_space<hbm>>
      tpu.enqueue_dma source(%dma_start3A_59 : memref<512xf32, #tpu.memory_space<hbm>>) target(%dma_start3A_57 : memref<512xf32, #tpu.memory_space<vmem>>) target_semaphore(%arg23 : memref<!tpu.dma_semaphore, #tpu.memory_space<semaphore_mem>>)
      %dma_wait3A_60 = arith.constant 0 : i32
      %dma_wait3A_61 = tpu.memref_slice %arg13[%dma_wait3A_60] : memref<512xf32, #tpu.memory_space<vmem>> -> memref<512xf32, #tpu.memory_space<vmem>>
      %dma_wait3A_62 = arith.constant 0 : i32
      %dma_wait3A_63 = tpu.memref_slice %arg4[%dma_wait3A_62] : memref<1000xf32, #tpu.memory_space<hbm>> -> memref<512xf32, #tpu.memory_space<hbm>>
      %dma_wait3A_64 = arith.constant 0 : i32
      %dma_wait3A_65 = tpu.memref_slice %arg13[%dma_wait3A_64] : memref<512xf32, #tpu.memory_space<vmem>> -> memref<512xf32, #tpu.memory_space<vmem>>
      %dma_wait3A_66 = arith.constant 0 : i32
      %dma_wait3A_67 = tpu.memref_slice %arg4[%dma_wait3A_66] : memref<1000xf32, #tpu.memory_space<hbm>> -> memref<512xf32, #tpu.memory_space<hbm>>
      tpu.wait_dma2 semaphore(%arg23 : memref<!tpu.dma_semaphore, #tpu.memory_space<semaphore_mem>>) src(%dma_wait3A_67 : memref<512xf32, #tpu.memory_space<hbm>>) dst(%dma_wait3A_65 : memref<512xf32, #tpu.memory_space<vmem>>)
      %dma_wait3A_68 = arith.constant 0 : i32
      %dma_wait3A_69 = tpu.memref_slice %arg14[%dma_wait3A_68] : memref<512xf32, #tpu.memory_space<vmem>> -> memref<512xf32, #tpu.memory_space<vmem>>
      %dma_wait3A_70 = arith.constant 0 : i32
      %dma_wait3A_71 = tpu.memref_slice %arg6[%dma_wait3A_70] : memref<1000xf32, #tpu.memory_space<hbm>> -> memref<512xf32, #tpu.memory_space<hbm>>
      %dma_wait3A_72 = arith.constant 0 : i32
      %dma_wait3A_73 = tpu.memref_slice %arg14[%dma_wait3A_72] : memref<512xf32, #tpu.memory_space<vmem>> -> memref<512xf32, #tpu.memory_space<vmem>>
      %dma_wait3A_74 = arith.constant 0 : i32
      %dma_wait3A_75 = tpu.memref_slice %arg6[%dma_wait3A_74] : memref<1000xf32, #tpu.memory_space<hbm>> -> memref<512xf32, #tpu.memory_space<hbm>>
      tpu.wait_dma2 semaphore(%arg23 : memref<!tpu.dma_semaphore, #tpu.memory_space<semaphore_mem>>) src(%dma_wait3A_75 : memref<512xf32, #tpu.memory_space<hbm>>) dst(%dma_wait3A_73 : memref<512xf32, #tpu.memory_space<vmem>>)
      %dma_wait3A_76 = arith.constant 0 : i32
      %dma_wait3A_77 = tpu.memref_slice %arg15[%dma_wait3A_76] : memref<512xf32, #tpu.memory_space<vmem>> -> memref<512xf32, #tpu.memory_space<vmem>>
      %dma_wait3A_78 = arith.constant 0 : i32
      %dma_wait3A_79 = tpu.memref_slice %arg7[%dma_wait3A_78] : memref<1000xf32, #tpu.memory_space<hbm>> -> memref<512xf32, #tpu.memory_space<hbm>>
      %dma_wait3A_80 = arith.constant 0 : i32
      %dma_wait3A_81 = tpu.memref_slice %arg15[%dma_wait3A_80] : memref<512xf32, #tpu.memory_space<vmem>> -> memref<512xf32, #tpu.memory_space<vmem>>
      %dma_wait3A_82 = arith.constant 0 : i32
      %dma_wait3A_83 = tpu.memref_slice %arg7[%dma_wait3A_82] : memref<1000xf32, #tpu.memory_space<hbm>> -> memref<512xf32, #tpu.memory_space<hbm>>
      tpu.wait_dma2 semaphore(%arg23 : memref<!tpu.dma_semaphore, #tpu.memory_space<semaphore_mem>>) src(%dma_wait3A_83 : memref<512xf32, #tpu.memory_space<hbm>>) dst(%dma_wait3A_81 : memref<512xf32, #tpu.memory_space<vmem>>)
      %dma_wait3A_84 = arith.constant 0 : i32
      %dma_wait3A_85 = tpu.memref_slice %arg16[%dma_wait3A_84] : memref<512xf32, #tpu.memory_space<vmem>> -> memref<512xf32, #tpu.memory_space<vmem>>
      %dma_wait3A_86 = arith.constant 0 : i32
      %dma_wait3A_87 = tpu.memref_slice %arg10[%dma_wait3A_86] : memref<1000xf32, #tpu.memory_space<hbm>> -> memref<512xf32, #tpu.memory_space<hbm>>
      %dma_wait3A_88 = arith.constant 0 : i32
      %dma_wait3A_89 = tpu.memref_slice %arg16[%dma_wait3A_88] : memref<512xf32, #tpu.memory_space<vmem>> -> memref<512xf32, #tpu.memory_space<vmem>>
      %dma_wait3A_90 = arith.constant 0 : i32
      %dma_wait3A_91 = tpu.memref_slice %arg10[%dma_wait3A_90] : memref<1000xf32, #tpu.memory_space<hbm>> -> memref<512xf32, #tpu.memory_space<hbm>>
      tpu.wait_dma2 semaphore(%arg23 : memref<!tpu.dma_semaphore, #tpu.memory_space<semaphore_mem>>) src(%dma_wait3A_91 : memref<512xf32, #tpu.memory_space<hbm>>) dst(%dma_wait3A_89 : memref<512xf32, #tpu.memory_space<vmem>>)
      %parallel_loop3A_92 = arith.constant 0 : i32
      %parallel_loop3A_93 = arith.constant 512 : i32
      %parallel_loop3A_94 = arith.constant 16 : i32
      scf.for %parallel_loop3A_95 = %parallel_loop3A_92 to %parallel_loop3A_93 step %parallel_loop3A_94  : i32 {
        %parallel_loop3A_96 = arith.index_cast %parallel_loop3A_95 : i32 to index
        %parallel_loop3A_97 = tpu.vector_load %arg16[%parallel_loop3A_96] {strides = array<i32>} : memref<512xf32, #tpu.memory_space<vmem>>, vector<16xf32>,
        %parallel_loop3A_98 = arith.index_cast %parallel_loop3A_95 : i32 to index
        %parallel_loop3A_99 = tpu.vector_load %arg14[%parallel_loop3A_98] {strides = array<i32>} : memref<512xf32, #tpu.memory_space<vmem>>, vector<16xf32>,
        %parallel_loop3A_100 = arith.index_cast %parallel_loop3A_95 : i32 to index
        %parallel_loop3A_101 = tpu.vector_load %arg13[%parallel_loop3A_100] {strides = array<i32>} : memref<512xf32, #tpu.memory_space<vmem>>, vector<16xf32>,
        %parallel_loop3A_102 = arith.mulf %parallel_loop3A_99, %parallel_loop3A_101 : vector<16xf32>
        %parallel_loop3A_103 = arith.index_cast %parallel_loop3A_95 : i32 to index
        %parallel_loop3A_104 = tpu.vector_load %arg15[%parallel_loop3A_103] {strides = array<i32>} : memref<512xf32, #tpu.memory_space<vmem>>, vector<16xf32>,
        %parallel_loop3A_105 = arith.addf %parallel_loop3A_102, %parallel_loop3A_104 : vector<16xf32>
        %parallel_loop3A_106 = arith.mulf %parallel_loop3A_97, %parallel_loop3A_105 : vector<16xf32>
        %parallel_loop3A_107 = arith.index_cast %parallel_loop3A_95 : i32 to index
        %parallel_loop3A_108 = tpu.vector_load %arg17[%parallel_loop3A_107] {strides = array<i32>} : memref<512xf32, #tpu.memory_space<vmem>>, vector<16xf32>,
        tpu.vector_store %arg17[%parallel_loop3A_107], %parallel_loop3A_106 {strides = array<i32>} : memref<512xf32, #tpu.memory_space<vmem>>, vector<16xf32>,
      } {sc.loop_unroll_factor = 4 : i64, sc.parallel_access}
      "tpu.region"() ({
        %run_scoped3A = tpu.sem_alloc : memref<!tpu.dma_semaphore, #tpu.memory_space<semaphore_mem>>
        %dma_start3A_95 = arith.constant 0 : i32
        %dma_start3A_96 = tpu.memref_slice %arg22[%dma_start3A_95] : memref<2048xf32, #tpu.memory_space<vmem_shared>> -> memref<512xf32, #tpu.memory_space<vmem_shared>>
        %dma_start3A_97 = arith.constant 0 : i32
        %dma_start3A_98 = tpu.memref_slice %arg22[%dma_start3A_97] : memref<2048xf32, #tpu.memory_space<vmem_shared>> -> memref<512xf32, #tpu.memory_space<vmem_shared>>
        tpu.enqueue_dma source(%arg17 : memref<512xf32, #tpu.memory_space<vmem>>) target(%dma_start3A_98 : memref<512xf32, #tpu.memory_space<vmem_shared>>) target_semaphore(%run_scoped3A : memref<!tpu.dma_semaphore, #tpu.memory_space<semaphore_mem>>)
        %dma_wait3A_99 = arith.constant 0 : i32
        %dma_wait3A_100 = tpu.memref_slice %arg22[%dma_wait3A_99] : memref<2048xf32, #tpu.memory_space<vmem_shared>> -> memref<512xf32, #tpu.memory_space<vmem_shared>>
        %dma_wait3A_101 = arith.constant 0 : i32
        %dma_wait3A_102 = tpu.memref_slice %arg22[%dma_wait3A_101] : memref<2048xf32, #tpu.memory_space<vmem_shared>> -> memref<512xf32, #tpu.memory_space<vmem_shared>>
        tpu.wait_dma2 semaphore(%run_scoped3A : memref<!tpu.dma_semaphore, #tpu.memory_space<semaphore_mem>>) src(%arg17 : memref<512xf32, #tpu.memory_space<vmem>>) dst(%dma_wait3A_102 : memref<512xf32, #tpu.memory_space<vmem_shared>>)
        tpu.yield
      }) : () -> ()
    } else {
    }
    %eq3A_8 = arith.constant 2 : i32
    %eq3A_9 = arith.cmpi eq, %arg1, %eq3A_8 : i32
    %convert_element_type3A_10 = arith.extui %eq3A_9 : i1 to i32
    %cond3A_11 = arith.constant 0 : i32
    %cond3A_12 = arith.cmpi ne, %convert_element_type3A_10, %cond3A_11 : i32
    scf.if %cond3A_12 {
      %dma_start3A_28 = arith.constant 0 : i32
      %dma_start3A_29 = tpu.memref_slice %arg13[%dma_start3A_28] : memref<512xf32, #tpu.memory_space<vmem>> -> memref<512xf32, #tpu.memory_space<vmem>>
      %dma_start3A_30 = arith.constant 0 : i32
      %dma_start3A_31 = tpu.memref_slice %arg5[%dma_start3A_30] : memref<1000xf32, #tpu.memory_space<hbm>> -> memref<512xf32, #tpu.memory_space<hbm>>
      %dma_start3A_32 = arith.constant 0 : i32
      %dma_start3A_33 = tpu.memref_slice %arg13[%dma_start3A_32] : memref<512xf32, #tpu.memory_space<vmem>> -> memref<512xf32, #tpu.memory_space<vmem>>
      %dma_start3A_34 = arith.constant 0 : i32
      %dma_start3A_35 = tpu.memref_slice %arg5[%dma_start3A_34] : memref<1000xf32, #tpu.memory_space<hbm>> -> memref<512xf32, #tpu.memory_space<hbm>>
      tpu.enqueue_dma source(%dma_start3A_35 : memref<512xf32, #tpu.memory_space<hbm>>) target(%dma_start3A_33 : memref<512xf32, #tpu.memory_space<vmem>>) target_semaphore(%arg23 : memref<!tpu.dma_semaphore, #tpu.memory_space<semaphore_mem>>)
      %dma_start3A_36 = arith.constant 0 : i32
      %dma_start3A_37 = tpu.memref_slice %arg14[%dma_start3A_36] : memref<512xf32, #tpu.memory_space<vmem>> -> memref<512xf32, #tpu.memory_space<vmem>>
      %dma_start3A_38 = arith.constant 0 : i32
      %dma_start3A_39 = tpu.memref_slice %arg8[%dma_start3A_38] : memref<1000xf32, #tpu.memory_space<hbm>> -> memref<512xf32, #tpu.memory_space<hbm>>
      %dma_start3A_40 = arith.constant 0 : i32
      %dma_start3A_41 = tpu.memref_slice %arg14[%dma_start3A_40] : memref<512xf32, #tpu.memory_space<vmem>> -> memref<512xf32, #tpu.memory_space<vmem>>
      %dma_start3A_42 = arith.constant 0 : i32
      %dma_start3A_43 = tpu.memref_slice %arg8[%dma_start3A_42] : memref<1000xf32, #tpu.memory_space<hbm>> -> memref<512xf32, #tpu.memory_space<hbm>>
      tpu.enqueue_dma source(%dma_start3A_43 : memref<512xf32, #tpu.memory_space<hbm>>) target(%dma_start3A_41 : memref<512xf32, #tpu.memory_space<vmem>>) target_semaphore(%arg23 : memref<!tpu.dma_semaphore, #tpu.memory_space<semaphore_mem>>)
      %dma_start3A_44 = arith.constant 0 : i32
      %dma_start3A_45 = tpu.memref_slice %arg15[%dma_start3A_44] : memref<512xf32, #tpu.memory_space<vmem>> -> memref<512xf32, #tpu.memory_space<vmem>>
      %dma_start3A_46 = arith.constant 0 : i32
      %dma_start3A_47 = tpu.memref_slice %arg9[%dma_start3A_46] : memref<1000xf32, #tpu.memory_space<hbm>> -> memref<512xf32, #tpu.memory_space<hbm>>
      %dma_start3A_48 = arith.constant 0 : i32
      %dma_start3A_49 = tpu.memref_slice %arg15[%dma_start3A_48] : memref<512xf32, #tpu.memory_space<vmem>> -> memref<512xf32, #tpu.memory_space<vmem>>
      %dma_start3A_50 = arith.constant 0 : i32
      %dma_start3A_51 = tpu.memref_slice %arg9[%dma_start3A_50] : memref<1000xf32, #tpu.memory_space<hbm>> -> memref<512xf32, #tpu.memory_space<hbm>>
      tpu.enqueue_dma source(%dma_start3A_51 : memref<512xf32, #tpu.memory_space<hbm>>) target(%dma_start3A_49 : memref<512xf32, #tpu.memory_space<vmem>>) target_semaphore(%arg23 : memref<!tpu.dma_semaphore, #tpu.memory_space<semaphore_mem>>)
      %dma_start3A_52 = arith.constant 0 : i32
      %dma_start3A_53 = tpu.memref_slice %arg16[%dma_start3A_52] : memref<512xf32, #tpu.memory_space<vmem>> -> memref<512xf32, #tpu.memory_space<vmem>>
      %dma_start3A_54 = arith.constant 0 : i32
      %dma_start3A_55 = tpu.memref_slice %arg11[%dma_start3A_54] : memref<1000xf32, #tpu.memory_space<hbm>> -> memref<512xf32, #tpu.memory_space<hbm>>
      %dma_start3A_56 = arith.constant 0 : i32
      %dma_start3A_57 = tpu.memref_slice %arg16[%dma_start3A_56] : memref<512xf32, #tpu.memory_space<vmem>> -> memref<512xf32, #tpu.memory_space<vmem>>
      %dma_start3A_58 = arith.constant 0 : i32
      %dma_start3A_59 = tpu.memref_slice %arg11[%dma_start3A_58] : memref<1000xf32, #tpu.memory_space<hbm>> -> memref<512xf32, #tpu.memory_space<hbm>>
      tpu.enqueue_dma source(%dma_start3A_59 : memref<512xf32, #tpu.memory_space<hbm>>) target(%dma_start3A_57 : memref<512xf32, #tpu.memory_space<vmem>>) target_semaphore(%arg23 : memref<!tpu.dma_semaphore, #tpu.memory_space<semaphore_mem>>)
      %dma_wait3A_60 = arith.constant 0 : i32
      %dma_wait3A_61 = tpu.memref_slice %arg13[%dma_wait3A_60] : memref<512xf32, #tpu.memory_space<vmem>> -> memref<512xf32, #tpu.memory_space<vmem>>
      %dma_wait3A_62 = arith.constant 0 : i32
      %dma_wait3A_63 = tpu.memref_slice %arg5[%dma_wait3A_62] : memref<1000xf32, #tpu.memory_space<hbm>> -> memref<512xf32, #tpu.memory_space<hbm>>
      %dma_wait3A_64 = arith.constant 0 : i32
      %dma_wait3A_65 = tpu.memref_slice %arg13[%dma_wait3A_64] : memref<512xf32, #tpu.memory_space<vmem>> -> memref<512xf32, #tpu.memory_space<vmem>>
      %dma_wait3A_66 = arith.constant 0 : i32
      %dma_wait3A_67 = tpu.memref_slice %arg5[%dma_wait3A_66] : memref<1000xf32, #tpu.memory_space<hbm>> -> memref<512xf32, #tpu.memory_space<hbm>>
      tpu.wait_dma2 semaphore(%arg23 : memref<!tpu.dma_semaphore, #tpu.memory_space<semaphore_mem>>) src(%dma_wait3A_67 : memref<512xf32, #tpu.memory_space<hbm>>) dst(%dma_wait3A_65 : memref<512xf32, #tpu.memory_space<vmem>>)
      %dma_wait3A_68 = arith.constant 0 : i32
      %dma_wait3A_69 = tpu.memref_slice %arg14[%dma_wait3A_68] : memref<512xf32, #tpu.memory_space<vmem>> -> memref<512xf32, #tpu.memory_space<vmem>>
      %dma_wait3A_70 = arith.constant 0 : i32
      %dma_wait3A_71 = tpu.memref_slice %arg8[%dma_wait3A_70] : memref<1000xf32, #tpu.memory_space<hbm>> -> memref<512xf32, #tpu.memory_space<hbm>>
      %dma_wait3A_72 = arith.constant 0 : i32
      %dma_wait3A_73 = tpu.memref_slice %arg14[%dma_wait3A_72] : memref<512xf32, #tpu.memory_space<vmem>> -> memref<512xf32, #tpu.memory_space<vmem>>
      %dma_wait3A_74 = arith.constant 0 : i32
      %dma_wait3A_75 = tpu.memref_slice %arg8[%dma_wait3A_74] : memref<1000xf32, #tpu.memory_space<hbm>> -> memref<512xf32, #tpu.memory_space<hbm>>
      tpu.wait_dma2 semaphore(%arg23 : memref<!tpu.dma_semaphore, #tpu.memory_space<semaphore_mem>>) src(%dma_wait3A_75 : memref<512xf32, #tpu.memory_space<hbm>>) dst(%dma_wait3A_73 : memref<512xf32, #tpu.memory_space<vmem>>)
      %dma_wait3A_76 = arith.constant 0 : i32
      %dma_wait3A_77 = tpu.memref_slice %arg15[%dma_wait3A_76] : memref<512xf32, #tpu.memory_space<vmem>> -> memref<512xf32, #tpu.memory_space<vmem>>
      %dma_wait3A_78 = arith.constant 0 : i32
      %dma_wait3A_79 = tpu.memref_slice %arg9[%dma_wait3A_78] : memref<1000xf32, #tpu.memory_space<hbm>> -> memref<512xf32, #tpu.memory_space<hbm>>
      %dma_wait3A_80 = arith.constant 0 : i32
      %dma_wait3A_81 = tpu.memref_slice %arg15[%dma_wait3A_80] : memref<512xf32, #tpu.memory_space<vmem>> -> memref<512xf32, #tpu.memory_space<vmem>>
      %dma_wait3A_82 = arith.constant 0 : i32
      %dma_wait3A_83 = tpu.memref_slice %arg9[%dma_wait3A_82] : memref<1000xf32, #tpu.memory_space<hbm>> -> memref<512xf32, #tpu.memory_space<hbm>>
      tpu.wait_dma2 semaphore(%arg23 : memref<!tpu.dma_semaphore, #tpu.memory_space<semaphore_mem>>) src(%dma_wait3A_83 : memref<512xf32, #tpu.memory_space<hbm>>) dst(%dma_wait3A_81 : memref<512xf32, #tpu.memory_space<vmem>>)
      %dma_wait3A_84 = arith.constant 0 : i32
      %dma_wait3A_85 = tpu.memref_slice %arg16[%dma_wait3A_84] : memref<512xf32, #tpu.memory_space<vmem>> -> memref<512xf32, #tpu.memory_space<vmem>>
      %dma_wait3A_86 = arith.constant 0 : i32
      %dma_wait3A_87 = tpu.memref_slice %arg11[%dma_wait3A_86] : memref<1000xf32, #tpu.memory_space<hbm>> -> memref<512xf32, #tpu.memory_space<hbm>>
      %dma_wait3A_88 = arith.constant 0 : i32
      %dma_wait3A_89 = tpu.memref_slice %arg16[%dma_wait3A_88] : memref<512xf32, #tpu.memory_space<vmem>> -> memref<512xf32, #tpu.memory_space<vmem>>
      %dma_wait3A_90 = arith.constant 0 : i32
      %dma_wait3A_91 = tpu.memref_slice %arg11[%dma_wait3A_90] : memref<1000xf32, #tpu.memory_space<hbm>> -> memref<512xf32, #tpu.memory_space<hbm>>
      tpu.wait_dma2 semaphore(%arg23 : memref<!tpu.dma_semaphore, #tpu.memory_space<semaphore_mem>>) src(%dma_wait3A_91 : memref<512xf32, #tpu.memory_space<hbm>>) dst(%dma_wait3A_89 : memref<512xf32, #tpu.memory_space<vmem>>)
      %parallel_loop3A_92 = arith.constant 0 : i32
      %parallel_loop3A_93 = arith.constant 512 : i32
      %parallel_loop3A_94 = arith.constant 16 : i32
      scf.for %parallel_loop3A_95 = %parallel_loop3A_92 to %parallel_loop3A_93 step %parallel_loop3A_94  : i32 {
        %parallel_loop3A_96 = arith.index_cast %parallel_loop3A_95 : i32 to index
        %parallel_loop3A_97 = tpu.vector_load %arg16[%parallel_loop3A_96] {strides = array<i32>} : memref<512xf32, #tpu.memory_space<vmem>>, vector<16xf32>,
        %parallel_loop3A_98 = arith.index_cast %parallel_loop3A_95 : i32 to index
        %parallel_loop3A_99 = tpu.vector_load %arg14[%parallel_loop3A_98] {strides = array<i32>} : memref<512xf32, #tpu.memory_space<vmem>>, vector<16xf32>,
        %parallel_loop3A_100 = arith.index_cast %parallel_loop3A_95 : i32 to index
        %parallel_loop3A_101 = tpu.vector_load %arg13[%parallel_loop3A_100] {strides = array<i32>} : memref<512xf32, #tpu.memory_space<vmem>>, vector<16xf32>,
        %parallel_loop3A_102 = arith.mulf %parallel_loop3A_99, %parallel_loop3A_101 : vector<16xf32>
        %parallel_loop3A_103 = arith.index_cast %parallel_loop3A_95 : i32 to index
        %parallel_loop3A_104 = tpu.vector_load %arg15[%parallel_loop3A_103] {strides = array<i32>} : memref<512xf32, #tpu.memory_space<vmem>>, vector<16xf32>,
        %parallel_loop3A_105 = arith.addf %parallel_loop3A_102, %parallel_loop3A_104 : vector<16xf32>
        %parallel_loop3A_106 = arith.mulf %parallel_loop3A_97, %parallel_loop3A_105 : vector<16xf32>
        %parallel_loop3A_107 = arith.index_cast %parallel_loop3A_95 : i32 to index
        %parallel_loop3A_108 = tpu.vector_load %arg17[%parallel_loop3A_107] {strides = array<i32>} : memref<512xf32, #tpu.memory_space<vmem>>, vector<16xf32>,
        tpu.vector_store %arg17[%parallel_loop3A_107], %parallel_loop3A_106 {strides = array<i32>} : memref<512xf32, #tpu.memory_space<vmem>>, vector<16xf32>,
      } {sc.loop_unroll_factor = 4 : i64, sc.parallel_access}
      "tpu.region"() ({
        %run_scoped3A = tpu.sem_alloc : memref<!tpu.dma_semaphore, #tpu.memory_space<semaphore_mem>>
        %dma_start3A_95 = arith.constant 1024 : i32
        %dma_start3A_96 = tpu.memref_slice %arg22[%dma_start3A_95] : memref<2048xf32, #tpu.memory_space<vmem_shared>> -> memref<512xf32, #tpu.memory_space<vmem_shared>>
        %dma_start3A_97 = arith.constant 1024 : i32
        %dma_start3A_98 = tpu.memref_slice %arg22[%dma_start3A_97] : memref<2048xf32, #tpu.memory_space<vmem_shared>> -> memref<512xf32, #tpu.memory_space<vmem_shared>>
        tpu.enqueue_dma source(%arg17 : memref<512xf32, #tpu.memory_space<vmem>>) target(%dma_start3A_98 : memref<512xf32, #tpu.memory_space<vmem_shared>>) target_semaphore(%run_scoped3A : memref<!tpu.dma_semaphore, #tpu.memory_space<semaphore_mem>>)
        %dma_wait3A_99 = arith.constant 1024 : i32
        %dma_wait3A_100 = tpu.memref_slice %arg22[%dma_wait3A_99] : memref<2048xf32, #tpu.memory_space<vmem_shared>> -> memref<512xf32, #tpu.memory_space<vmem_shared>>
        %dma_wait3A_101 = arith.constant 1024 : i32
        %dma_wait3A_102 = tpu.memref_slice %arg22[%dma_wait3A_101] : memref<2048xf32, #tpu.memory_space<vmem_shared>> -> memref<512xf32, #tpu.memory_space<vmem_shared>>
        tpu.wait_dma2 semaphore(%run_scoped3A : memref<!tpu.dma_semaphore, #tpu.memory_space<semaphore_mem>>) src(%arg17 : memref<512xf32, #tpu.memory_space<vmem>>) dst(%dma_wait3A_102 : memref<512xf32, #tpu.memory_space<vmem_shared>>)
        tpu.yield
      }) : () -> ()
    } else {
    }
    %eq3A_13 = arith.constant 1 : i32
    %eq3A_14 = arith.cmpi eq, %arg1, %eq3A_13 : i32
    %convert_element_type3A_15 = arith.extui %eq3A_14 : i1 to i32
    %cond3A_16 = arith.constant 0 : i32
    %cond3A_17 = arith.cmpi ne, %convert_element_type3A_15, %cond3A_16 : i32
    scf.if %cond3A_17 {
      %dma_start3A_28 = arith.constant 0 : i32
      %dma_start3A_29 = tpu.memref_slice %arg13[%dma_start3A_28] : memref<512xf32, #tpu.memory_space<vmem>> -> memref<488xf32, #tpu.memory_space<vmem>>
      %dma_start3A_30 = arith.constant 512 : i32
      %dma_start3A_31 = tpu.memref_slice %arg4[%dma_start3A_30] : memref<1000xf32, #tpu.memory_space<hbm>> -> memref<488xf32, #tpu.memory_space<hbm>>
      %dma_start3A_32 = arith.constant 0 : i32
      %dma_start3A_33 = tpu.memref_slice %arg13[%dma_start3A_32] : memref<512xf32, #tpu.memory_space<vmem>> -> memref<488xf32, #tpu.memory_space<vmem>>
      %dma_start3A_34 = arith.constant 512 : i32
      %dma_start3A_35 = tpu.memref_slice %arg4[%dma_start3A_34] : memref<1000xf32, #tpu.memory_space<hbm>> -> memref<488xf32, #tpu.memory_space<hbm>>
      tpu.enqueue_dma source(%dma_start3A_35 : memref<488xf32, #tpu.memory_space<hbm>>) target(%dma_start3A_33 : memref<488xf32, #tpu.memory_space<vmem>>) target_semaphore(%arg23 : memref<!tpu.dma_semaphore, #tpu.memory_space<semaphore_mem>>)
      %dma_start3A_36 = arith.constant 0 : i32
      %dma_start3A_37 = tpu.memref_slice %arg14[%dma_start3A_36] : memref<512xf32, #tpu.memory_space<vmem>> -> memref<488xf32, #tpu.memory_space<vmem>>
      %dma_start3A_38 = arith.constant 512 : i32
      %dma_start3A_39 = tpu.memref_slice %arg6[%dma_start3A_38] : memref<1000xf32, #tpu.memory_space<hbm>> -> memref<488xf32, #tpu.memory_space<hbm>>
      %dma_start3A_40 = arith.constant 0 : i32
      %dma_start3A_41 = tpu.memref_slice %arg14[%dma_start3A_40] : memref<512xf32, #tpu.memory_space<vmem>> -> memref<488xf32, #tpu.memory_space<vmem>>
      %dma_start3A_42 = arith.constant 512 : i32
      %dma_start3A_43 = tpu.memref_slice %arg6[%dma_start3A_42] : memref<1000xf32, #tpu.memory_space<hbm>> -> memref<488xf32, #tpu.memory_space<hbm>>
      tpu.enqueue_dma source(%dma_start3A_43 : memref<488xf32, #tpu.memory_space<hbm>>) target(%dma_start3A_41 : memref<488xf32, #tpu.memory_space<vmem>>) target_semaphore(%arg23 : memref<!tpu.dma_semaphore, #tpu.memory_space<semaphore_mem>>)
      %dma_start3A_44 = arith.constant 0 : i32
      %dma_start3A_45 = tpu.memref_slice %arg15[%dma_start3A_44] : memref<512xf32, #tpu.memory_space<vmem>> -> memref<488xf32, #tpu.memory_space<vmem>>
      %dma_start3A_46 = arith.constant 512 : i32
      %dma_start3A_47 = tpu.memref_slice %arg7[%dma_start3A_46] : memref<1000xf32, #tpu.memory_space<hbm>> -> memref<488xf32, #tpu.memory_space<hbm>>
      %dma_start3A_48 = arith.constant 0 : i32
      %dma_start3A_49 = tpu.memref_slice %arg15[%dma_start3A_48] : memref<512xf32, #tpu.memory_space<vmem>> -> memref<488xf32, #tpu.memory_space<vmem>>
      %dma_start3A_50 = arith.constant 512 : i32
      %dma_start3A_51 = tpu.memref_slice %arg7[%dma_start3A_50] : memref<1000xf32, #tpu.memory_space<hbm>> -> memref<488xf32, #tpu.memory_space<hbm>>
      tpu.enqueue_dma source(%dma_start3A_51 : memref<488xf32, #tpu.memory_space<hbm>>) target(%dma_start3A_49 : memref<488xf32, #tpu.memory_space<vmem>>) target_semaphore(%arg23 : memref<!tpu.dma_semaphore, #tpu.memory_space<semaphore_mem>>)
      %dma_start3A_52 = arith.constant 0 : i32
      %dma_start3A_53 = tpu.memref_slice %arg16[%dma_start3A_52] : memref<512xf32, #tpu.memory_space<vmem>> -> memref<488xf32, #tpu.memory_space<vmem>>
      %dma_start3A_54 = arith.constant 512 : i32
      %dma_start3A_55 = tpu.memref_slice %arg10[%dma_start3A_54] : memref<1000xf32, #tpu.memory_space<hbm>> -> memref<488xf32, #tpu.memory_space<hbm>>
      %dma_start3A_56 = arith.constant 0 : i32
      %dma_start3A_57 = tpu.memref_slice %arg16[%dma_start3A_56] : memref<512xf32, #tpu.memory_space<vmem>> -> memref<488xf32, #tpu.memory_space<vmem>>
      %dma_start3A_58 = arith.constant 512 : i32
      %dma_start3A_59 = tpu.memref_slice %arg10[%dma_start3A_58] : memref<1000xf32, #tpu.memory_space<hbm>> -> memref<488xf32, #tpu.memory_space<hbm>>
      tpu.enqueue_dma source(%dma_start3A_59 : memref<488xf32, #tpu.memory_space<hbm>>) target(%dma_start3A_57 : memref<488xf32, #tpu.memory_space<vmem>>) target_semaphore(%arg23 : memref<!tpu.dma_semaphore, #tpu.memory_space<semaphore_mem>>)
      %dma_wait3A_60 = arith.constant 0 : i32
      %dma_wait3A_61 = tpu.memref_slice %arg13[%dma_wait3A_60] : memref<512xf32, #tpu.memory_space<vmem>> -> memref<488xf32, #tpu.memory_space<vmem>>
      %dma_wait3A_62 = arith.constant 512 : i32
      %dma_wait3A_63 = tpu.memref_slice %arg4[%dma_wait3A_62] : memref<1000xf32, #tpu.memory_space<hbm>> -> memref<488xf32, #tpu.memory_space<hbm>>
      %dma_wait3A_64 = arith.constant 0 : i32
      %dma_wait3A_65 = tpu.memref_slice %arg13[%dma_wait3A_64] : memref<512xf32, #tpu.memory_space<vmem>> -> memref<488xf32, #tpu.memory_space<vmem>>
      %dma_wait3A_66 = arith.constant 512 : i32
      %dma_wait3A_67 = tpu.memref_slice %arg4[%dma_wait3A_66] : memref<1000xf32, #tpu.memory_space<hbm>> -> memref<488xf32, #tpu.memory_space<hbm>>
      tpu.wait_dma2 semaphore(%arg23 : memref<!tpu.dma_semaphore, #tpu.memory_space<semaphore_mem>>) src(%dma_wait3A_67 : memref<488xf32, #tpu.memory_space<hbm>>) dst(%dma_wait3A_65 : memref<488xf32, #tpu.memory_space<vmem>>)
      %dma_wait3A_68 = arith.constant 0 : i32
      %dma_wait3A_69 = tpu.memref_slice %arg14[%dma_wait3A_68] : memref<512xf32, #tpu.memory_space<vmem>> -> memref<488xf32, #tpu.memory_space<vmem>>
      %dma_wait3A_70 = arith.constant 512 : i32
      %dma_wait3A_71 = tpu.memref_slice %arg6[%dma_wait3A_70] : memref<1000xf32, #tpu.memory_space<hbm>> -> memref<488xf32, #tpu.memory_space<hbm>>
      %dma_wait3A_72 = arith.constant 0 : i32
      %dma_wait3A_73 = tpu.memref_slice %arg14[%dma_wait3A_72] : memref<512xf32, #tpu.memory_space<vmem>> -> memref<488xf32, #tpu.memory_space<vmem>>
      %dma_wait3A_74 = arith.constant 512 : i32
      %dma_wait3A_75 = tpu.memref_slice %arg6[%dma_wait3A_74] : memref<1000xf32, #tpu.memory_space<hbm>> -> memref<488xf32, #tpu.memory_space<hbm>>
      tpu.wait_dma2 semaphore(%arg23 : memref<!tpu.dma_semaphore, #tpu.memory_space<semaphore_mem>>) src(%dma_wait3A_75 : memref<488xf32, #tpu.memory_space<hbm>>) dst(%dma_wait3A_73 : memref<488xf32, #tpu.memory_space<vmem>>)
      %dma_wait3A_76 = arith.constant 0 : i32
      %dma_wait3A_77 = tpu.memref_slice %arg15[%dma_wait3A_76] : memref<512xf32, #tpu.memory_space<vmem>> -> memref<488xf32, #tpu.memory_space<vmem>>
      %dma_wait3A_78 = arith.constant 512 : i32
      %dma_wait3A_79 = tpu.memref_slice %arg7[%dma_wait3A_78] : memref<1000xf32, #tpu.memory_space<hbm>> -> memref<488xf32, #tpu.memory_space<hbm>>
      %dma_wait3A_80 = arith.constant 0 : i32
      %dma_wait3A_81 = tpu.memref_slice %arg15[%dma_wait3A_80] : memref<512xf32, #tpu.memory_space<vmem>> -> memref<488xf32, #tpu.memory_space<vmem>>
      %dma_wait3A_82 = arith.constant 512 : i32
      %dma_wait3A_83 = tpu.memref_slice %arg7[%dma_wait3A_82] : memref<1000xf32, #tpu.memory_space<hbm>> -> memref<488xf32, #tpu.memory_space<hbm>>
      tpu.wait_dma2 semaphore(%arg23 : memref<!tpu.dma_semaphore, #tpu.memory_space<semaphore_mem>>) src(%dma_wait3A_83 : memref<488xf32, #tpu.memory_space<hbm>>) dst(%dma_wait3A_81 : memref<488xf32, #tpu.memory_space<vmem>>)
      %dma_wait3A_84 = arith.constant 0 : i32
      %dma_wait3A_85 = tpu.memref_slice %arg16[%dma_wait3A_84] : memref<512xf32, #tpu.memory_space<vmem>> -> memref<488xf32, #tpu.memory_space<vmem>>
      %dma_wait3A_86 = arith.constant 512 : i32
      %dma_wait3A_87 = tpu.memref_slice %arg10[%dma_wait3A_86] : memref<1000xf32, #tpu.memory_space<hbm>> -> memref<488xf32, #tpu.memory_space<hbm>>
      %dma_wait3A_88 = arith.constant 0 : i32
      %dma_wait3A_89 = tpu.memref_slice %arg16[%dma_wait3A_88] : memref<512xf32, #tpu.memory_space<vmem>> -> memref<488xf32, #tpu.memory_space<vmem>>
      %dma_wait3A_90 = arith.constant 512 : i32
      %dma_wait3A_91 = tpu.memref_slice %arg10[%dma_wait3A_90] : memref<1000xf32, #tpu.memory_space<hbm>> -> memref<488xf32, #tpu.memory_space<hbm>>
      tpu.wait_dma2 semaphore(%arg23 : memref<!tpu.dma_semaphore, #tpu.memory_space<semaphore_mem>>) src(%dma_wait3A_91 : memref<488xf32, #tpu.memory_space<hbm>>) dst(%dma_wait3A_89 : memref<488xf32, #tpu.memory_space<vmem>>)
      %parallel_loop3A_92 = arith.constant 0 : i32
      %parallel_loop3A_93 = arith.constant 512 : i32
      %parallel_loop3A_94 = arith.constant 16 : i32
      scf.for %parallel_loop3A_95 = %parallel_loop3A_92 to %parallel_loop3A_93 step %parallel_loop3A_94  : i32 {
        %parallel_loop3A_96 = arith.index_cast %parallel_loop3A_95 : i32 to index
        %parallel_loop3A_97 = tpu.vector_load %arg16[%parallel_loop3A_96] {strides = array<i32>} : memref<512xf32, #tpu.memory_space<vmem>>, vector<16xf32>,
        %parallel_loop3A_98 = arith.index_cast %parallel_loop3A_95 : i32 to index
        %parallel_loop3A_99 = tpu.vector_load %arg14[%parallel_loop3A_98] {strides = array<i32>} : memref<512xf32, #tpu.memory_space<vmem>>, vector<16xf32>,
        %parallel_loop3A_100 = arith.index_cast %parallel_loop3A_95 : i32 to index
        %parallel_loop3A_101 = tpu.vector_load %arg13[%parallel_loop3A_100] {strides = array<i32>} : memref<512xf32, #tpu.memory_space<vmem>>, vector<16xf32>,
        %parallel_loop3A_102 = arith.mulf %parallel_loop3A_99, %parallel_loop3A_101 : vector<16xf32>
        %parallel_loop3A_103 = arith.index_cast %parallel_loop3A_95 : i32 to index
        %parallel_loop3A_104 = tpu.vector_load %arg15[%parallel_loop3A_103] {strides = array<i32>} : memref<512xf32, #tpu.memory_space<vmem>>, vector<16xf32>,
        %parallel_loop3A_105 = arith.addf %parallel_loop3A_102, %parallel_loop3A_104 : vector<16xf32>
        %parallel_loop3A_106 = arith.mulf %parallel_loop3A_97, %parallel_loop3A_105 : vector<16xf32>
        %parallel_loop3A_107 = arith.index_cast %parallel_loop3A_95 : i32 to index
        %parallel_loop3A_108 = tpu.vector_load %arg17[%parallel_loop3A_107] {strides = array<i32>} : memref<512xf32, #tpu.memory_space<vmem>>, vector<16xf32>,
        tpu.vector_store %arg17[%parallel_loop3A_107], %parallel_loop3A_106 {strides = array<i32>} : memref<512xf32, #tpu.memory_space<vmem>>, vector<16xf32>,
      } {sc.loop_unroll_factor = 4 : i64, sc.parallel_access}
      "tpu.region"() ({
        %run_scoped3A = tpu.sem_alloc : memref<!tpu.dma_semaphore, #tpu.memory_space<semaphore_mem>>
        %dma_start3A_95 = arith.constant 512 : i32
        %dma_start3A_96 = tpu.memref_slice %arg22[%dma_start3A_95] : memref<2048xf32, #tpu.memory_space<vmem_shared>> -> memref<512xf32, #tpu.memory_space<vmem_shared>>
        %dma_start3A_97 = arith.constant 512 : i32
        %dma_start3A_98 = tpu.memref_slice %arg22[%dma_start3A_97] : memref<2048xf32, #tpu.memory_space<vmem_shared>> -> memref<512xf32, #tpu.memory_space<vmem_shared>>
        tpu.enqueue_dma source(%arg17 : memref<512xf32, #tpu.memory_space<vmem>>) target(%dma_start3A_98 : memref<512xf32, #tpu.memory_space<vmem_shared>>) target_semaphore(%run_scoped3A : memref<!tpu.dma_semaphore, #tpu.memory_space<semaphore_mem>>)
        %dma_wait3A_99 = arith.constant 512 : i32
        %dma_wait3A_100 = tpu.memref_slice %arg22[%dma_wait3A_99] : memref<2048xf32, #tpu.memory_space<vmem_shared>> -> memref<512xf32, #tpu.memory_space<vmem_shared>>
        %dma_wait3A_101 = arith.constant 512 : i32
        %dma_wait3A_102 = tpu.memref_slice %arg22[%dma_wait3A_101] : memref<2048xf32, #tpu.memory_space<vmem_shared>> -> memref<512xf32, #tpu.memory_space<vmem_shared>>
        tpu.wait_dma2 semaphore(%run_scoped3A : memref<!tpu.dma_semaphore, #tpu.memory_space<semaphore_mem>>) src(%arg17 : memref<512xf32, #tpu.memory_space<vmem>>) dst(%dma_wait3A_102 : memref<512xf32, #tpu.memory_space<vmem_shared>>)
        tpu.yield
      }) : () -> ()
    } else {
    }
    %eq3A_18 = arith.constant 3 : i32
    %eq3A_19 = arith.cmpi eq, %arg1, %eq3A_18 : i32
    %convert_element_type3A_20 = arith.extui %eq3A_19 : i1 to i32
    %cond3A_21 = arith.constant 0 : i32
    %cond3A_22 = arith.cmpi ne, %convert_element_type3A_20, %cond3A_21 : i32
    scf.if %cond3A_22 {
      %dma_start3A_28 = arith.constant 0 : i32
      %dma_start3A_29 = tpu.memref_slice %arg13[%dma_start3A_28] : memref<512xf32, #tpu.memory_space<vmem>> -> memref<488xf32, #tpu.memory_space<vmem>>
      %dma_start3A_30 = arith.constant 512 : i32
      %dma_start3A_31 = tpu.memref_slice %arg5[%dma_start3A_30] : memref<1000xf32, #tpu.memory_space<hbm>> -> memref<488xf32, #tpu.memory_space<hbm>>
      %dma_start3A_32 = arith.constant 0 : i32
      %dma_start3A_33 = tpu.memref_slice %arg13[%dma_start3A_32] : memref<512xf32, #tpu.memory_space<vmem>> -> memref<488xf32, #tpu.memory_space<vmem>>
      %dma_start3A_34 = arith.constant 512 : i32
      %dma_start3A_35 = tpu.memref_slice %arg5[%dma_start3A_34] : memref<1000xf32, #tpu.memory_space<hbm>> -> memref<488xf32, #tpu.memory_space<hbm>>
      tpu.enqueue_dma source(%dma_start3A_35 : memref<488xf32, #tpu.memory_space<hbm>>) target(%dma_start3A_33 : memref<488xf32, #tpu.memory_space<vmem>>) target_semaphore(%arg23 : memref<!tpu.dma_semaphore, #tpu.memory_space<semaphore_mem>>)
      %dma_start3A_36 = arith.constant 0 : i32
      %dma_start3A_37 = tpu.memref_slice %arg14[%dma_start3A_36] : memref<512xf32, #tpu.memory_space<vmem>> -> memref<488xf32, #tpu.memory_space<vmem>>
      %dma_start3A_38 = arith.constant 512 : i32
      %dma_start3A_39 = tpu.memref_slice %arg8[%dma_start3A_38] : memref<1000xf32, #tpu.memory_space<hbm>> -> memref<488xf32, #tpu.memory_space<hbm>>
      %dma_start3A_40 = arith.constant 0 : i32
      %dma_start3A_41 = tpu.memref_slice %arg14[%dma_start3A_40] : memref<512xf32, #tpu.memory_space<vmem>> -> memref<488xf32, #tpu.memory_space<vmem>>
      %dma_start3A_42 = arith.constant 512 : i32
      %dma_start3A_43 = tpu.memref_slice %arg8[%dma_start3A_42] : memref<1000xf32, #tpu.memory_space<hbm>> -> memref<488xf32, #tpu.memory_space<hbm>>
      tpu.enqueue_dma source(%dma_start3A_43 : memref<488xf32, #tpu.memory_space<hbm>>) target(%dma_start3A_41 : memref<488xf32, #tpu.memory_space<vmem>>) target_semaphore(%arg23 : memref<!tpu.dma_semaphore, #tpu.memory_space<semaphore_mem>>)
      %dma_start3A_44 = arith.constant 0 : i32
      %dma_start3A_45 = tpu.memref_slice %arg15[%dma_start3A_44] : memref<512xf32, #tpu.memory_space<vmem>> -> memref<488xf32, #tpu.memory_space<vmem>>
      %dma_start3A_46 = arith.constant 512 : i32
      %dma_start3A_47 = tpu.memref_slice %arg9[%dma_start3A_46] : memref<1000xf32, #tpu.memory_space<hbm>> -> memref<488xf32, #tpu.memory_space<hbm>>
      %dma_start3A_48 = arith.constant 0 : i32
      %dma_start3A_49 = tpu.memref_slice %arg15[%dma_start3A_48] : memref<512xf32, #tpu.memory_space<vmem>> -> memref<488xf32, #tpu.memory_space<vmem>>
      %dma_start3A_50 = arith.constant 512 : i32
      %dma_start3A_51 = tpu.memref_slice %arg9[%dma_start3A_50] : memref<1000xf32, #tpu.memory_space<hbm>> -> memref<488xf32, #tpu.memory_space<hbm>>
      tpu.enqueue_dma source(%dma_start3A_51 : memref<488xf32, #tpu.memory_space<hbm>>) target(%dma_start3A_49 : memref<488xf32, #tpu.memory_space<vmem>>) target_semaphore(%arg23 : memref<!tpu.dma_semaphore, #tpu.memory_space<semaphore_mem>>)
      %dma_start3A_52 = arith.constant 0 : i32
      %dma_start3A_53 = tpu.memref_slice %arg16[%dma_start3A_52] : memref<512xf32, #tpu.memory_space<vmem>> -> memref<488xf32, #tpu.memory_space<vmem>>
      %dma_start3A_54 = arith.constant 512 : i32
      %dma_start3A_55 = tpu.memref_slice %arg11[%dma_start3A_54] : memref<1000xf32, #tpu.memory_space<hbm>> -> memref<488xf32, #tpu.memory_space<hbm>>
      %dma_start3A_56 = arith.constant 0 : i32
      %dma_start3A_57 = tpu.memref_slice %arg16[%dma_start3A_56] : memref<512xf32, #tpu.memory_space<vmem>> -> memref<488xf32, #tpu.memory_space<vmem>>
      %dma_start3A_58 = arith.constant 512 : i32
      %dma_start3A_59 = tpu.memref_slice %arg11[%dma_start3A_58] : memref<1000xf32, #tpu.memory_space<hbm>> -> memref<488xf32, #tpu.memory_space<hbm>>
      tpu.enqueue_dma source(%dma_start3A_59 : memref<488xf32, #tpu.memory_space<hbm>>) target(%dma_start3A_57 : memref<488xf32, #tpu.memory_space<vmem>>) target_semaphore(%arg23 : memref<!tpu.dma_semaphore, #tpu.memory_space<semaphore_mem>>)
      %dma_wait3A_60 = arith.constant 0 : i32
      %dma_wait3A_61 = tpu.memref_slice %arg13[%dma_wait3A_60] : memref<512xf32, #tpu.memory_space<vmem>> -> memref<488xf32, #tpu.memory_space<vmem>>
      %dma_wait3A_62 = arith.constant 512 : i32
      %dma_wait3A_63 = tpu.memref_slice %arg5[%dma_wait3A_62] : memref<1000xf32, #tpu.memory_space<hbm>> -> memref<488xf32, #tpu.memory_space<hbm>>
      %dma_wait3A_64 = arith.constant 0 : i32
      %dma_wait3A_65 = tpu.memref_slice %arg13[%dma_wait3A_64] : memref<512xf32, #tpu.memory_space<vmem>> -> memref<488xf32, #tpu.memory_space<vmem>>
      %dma_wait3A_66 = arith.constant 512 : i32
      %dma_wait3A_67 = tpu.memref_slice %arg5[%dma_wait3A_66] : memref<1000xf32, #tpu.memory_space<hbm>> -> memref<488xf32, #tpu.memory_space<hbm>>
      tpu.wait_dma2 semaphore(%arg23 : memref<!tpu.dma_semaphore, #tpu.memory_space<semaphore_mem>>) src(%dma_wait3A_67 : memref<488xf32, #tpu.memory_space<hbm>>) dst(%dma_wait3A_65 : memref<488xf32, #tpu.memory_space<vmem>>)
      %dma_wait3A_68 = arith.constant 0 : i32
      %dma_wait3A_69 = tpu.memref_slice %arg14[%dma_wait3A_68] : memref<512xf32, #tpu.memory_space<vmem>> -> memref<488xf32, #tpu.memory_space<vmem>>
      %dma_wait3A_70 = arith.constant 512 : i32
      %dma_wait3A_71 = tpu.memref_slice %arg8[%dma_wait3A_70] : memref<1000xf32, #tpu.memory_space<hbm>> -> memref<488xf32, #tpu.memory_space<hbm>>
      %dma_wait3A_72 = arith.constant 0 : i32
      %dma_wait3A_73 = tpu.memref_slice %arg14[%dma_wait3A_72] : memref<512xf32, #tpu.memory_space<vmem>> -> memref<488xf32, #tpu.memory_space<vmem>>
      %dma_wait3A_74 = arith.constant 512 : i32
      %dma_wait3A_75 = tpu.memref_slice %arg8[%dma_wait3A_74] : memref<1000xf32, #tpu.memory_space<hbm>> -> memref<488xf32, #tpu.memory_space<hbm>>
      tpu.wait_dma2 semaphore(%arg23 : memref<!tpu.dma_semaphore, #tpu.memory_space<semaphore_mem>>) src(%dma_wait3A_75 : memref<488xf32, #tpu.memory_space<hbm>>) dst(%dma_wait3A_73 : memref<488xf32, #tpu.memory_space<vmem>>)
      %dma_wait3A_76 = arith.constant 0 : i32
      %dma_wait3A_77 = tpu.memref_slice %arg15[%dma_wait3A_76] : memref<512xf32, #tpu.memory_space<vmem>> -> memref<488xf32, #tpu.memory_space<vmem>>
      %dma_wait3A_78 = arith.constant 512 : i32
      %dma_wait3A_79 = tpu.memref_slice %arg9[%dma_wait3A_78] : memref<1000xf32, #tpu.memory_space<hbm>> -> memref<488xf32, #tpu.memory_space<hbm>>
      %dma_wait3A_80 = arith.constant 0 : i32
      %dma_wait3A_81 = tpu.memref_slice %arg15[%dma_wait3A_80] : memref<512xf32, #tpu.memory_space<vmem>> -> memref<488xf32, #tpu.memory_space<vmem>>
      %dma_wait3A_82 = arith.constant 512 : i32
      %dma_wait3A_83 = tpu.memref_slice %arg9[%dma_wait3A_82] : memref<1000xf32, #tpu.memory_space<hbm>> -> memref<488xf32, #tpu.memory_space<hbm>>
      tpu.wait_dma2 semaphore(%arg23 : memref<!tpu.dma_semaphore, #tpu.memory_space<semaphore_mem>>) src(%dma_wait3A_83 : memref<488xf32, #tpu.memory_space<hbm>>) dst(%dma_wait3A_81 : memref<488xf32, #tpu.memory_space<vmem>>)
      %dma_wait3A_84 = arith.constant 0 : i32
      %dma_wait3A_85 = tpu.memref_slice %arg16[%dma_wait3A_84] : memref<512xf32, #tpu.memory_space<vmem>> -> memref<488xf32, #tpu.memory_space<vmem>>
      %dma_wait3A_86 = arith.constant 512 : i32
      %dma_wait3A_87 = tpu.memref_slice %arg11[%dma_wait3A_86] : memref<1000xf32, #tpu.memory_space<hbm>> -> memref<488xf32, #tpu.memory_space<hbm>>
      %dma_wait3A_88 = arith.constant 0 : i32
      %dma_wait3A_89 = tpu.memref_slice %arg16[%dma_wait3A_88] : memref<512xf32, #tpu.memory_space<vmem>> -> memref<488xf32, #tpu.memory_space<vmem>>
      %dma_wait3A_90 = arith.constant 512 : i32
      %dma_wait3A_91 = tpu.memref_slice %arg11[%dma_wait3A_90] : memref<1000xf32, #tpu.memory_space<hbm>> -> memref<488xf32, #tpu.memory_space<hbm>>
      tpu.wait_dma2 semaphore(%arg23 : memref<!tpu.dma_semaphore, #tpu.memory_space<semaphore_mem>>) src(%dma_wait3A_91 : memref<488xf32, #tpu.memory_space<hbm>>) dst(%dma_wait3A_89 : memref<488xf32, #tpu.memory_space<vmem>>)
      %parallel_loop3A_92 = arith.constant 0 : i32
      %parallel_loop3A_93 = arith.constant 512 : i32
      %parallel_loop3A_94 = arith.constant 16 : i32
      scf.for %parallel_loop3A_95 = %parallel_loop3A_92 to %parallel_loop3A_93 step %parallel_loop3A_94  : i32 {
        %parallel_loop3A_96 = arith.index_cast %parallel_loop3A_95 : i32 to index
        %parallel_loop3A_97 = tpu.vector_load %arg16[%parallel_loop3A_96] {strides = array<i32>} : memref<512xf32, #tpu.memory_space<vmem>>, vector<16xf32>,
        %parallel_loop3A_98 = arith.index_cast %parallel_loop3A_95 : i32 to index
        %parallel_loop3A_99 = tpu.vector_load %arg14[%parallel_loop3A_98] {strides = array<i32>} : memref<512xf32, #tpu.memory_space<vmem>>, vector<16xf32>,
        %parallel_loop3A_100 = arith.index_cast %parallel_loop3A_95 : i32 to index
        %parallel_loop3A_101 = tpu.vector_load %arg13[%parallel_loop3A_100] {strides = array<i32>} : memref<512xf32, #tpu.memory_space<vmem>>, vector<16xf32>,
        %parallel_loop3A_102 = arith.mulf %parallel_loop3A_99, %parallel_loop3A_101 : vector<16xf32>
        %parallel_loop3A_103 = arith.index_cast %parallel_loop3A_95 : i32 to index
        %parallel_loop3A_104 = tpu.vector_load %arg15[%parallel_loop3A_103] {strides = array<i32>} : memref<512xf32, #tpu.memory_space<vmem>>, vector<16xf32>,
        %parallel_loop3A_105 = arith.addf %parallel_loop3A_102, %parallel_loop3A_104 : vector<16xf32>
        %parallel_loop3A_106 = arith.mulf %parallel_loop3A_97, %parallel_loop3A_105 : vector<16xf32>
        %parallel_loop3A_107 = arith.index_cast %parallel_loop3A_95 : i32 to index
        %parallel_loop3A_108 = tpu.vector_load %arg17[%parallel_loop3A_107] {strides = array<i32>} : memref<512xf32, #tpu.memory_space<vmem>>, vector<16xf32>,
        tpu.vector_store %arg17[%parallel_loop3A_107], %parallel_loop3A_106 {strides = array<i32>} : memref<512xf32, #tpu.memory_space<vmem>>, vector<16xf32>,
      } {sc.loop_unroll_factor = 4 : i64, sc.parallel_access}
      "tpu.region"() ({
        %run_scoped3A = tpu.sem_alloc : memref<!tpu.dma_semaphore, #tpu.memory_space<semaphore_mem>>
        %dma_start3A_95 = arith.constant 1536 : i32
        %dma_start3A_96 = tpu.memref_slice %arg22[%dma_start3A_95] : memref<2048xf32, #tpu.memory_space<vmem_shared>> -> memref<512xf32, #tpu.memory_space<vmem_shared>>
        %dma_start3A_97 = arith.constant 1536 : i32
        %dma_start3A_98 = tpu.memref_slice %arg22[%dma_start3A_97] : memref<2048xf32, #tpu.memory_space<vmem_shared>> -> memref<512xf32, #tpu.memory_space<vmem_shared>>
        tpu.enqueue_dma source(%arg17 : memref<512xf32, #tpu.memory_space<vmem>>) target(%dma_start3A_98 : memref<512xf32, #tpu.memory_space<vmem_shared>>) target_semaphore(%run_scoped3A : memref<!tpu.dma_semaphore, #tpu.memory_space<semaphore_mem>>)
        %dma_wait3A_99 = arith.constant 1536 : i32
        %dma_wait3A_100 = tpu.memref_slice %arg22[%dma_wait3A_99] : memref<2048xf32, #tpu.memory_space<vmem_shared>> -> memref<512xf32, #tpu.memory_space<vmem_shared>>
        %dma_wait3A_101 = arith.constant 1536 : i32
        %dma_wait3A_102 = tpu.memref_slice %arg22[%dma_wait3A_101] : memref<2048xf32, #tpu.memory_space<vmem_shared>> -> memref<512xf32, #tpu.memory_space<vmem_shared>>
        tpu.wait_dma2 semaphore(%run_scoped3A : memref<!tpu.dma_semaphore, #tpu.memory_space<semaphore_mem>>) src(%arg17 : memref<512xf32, #tpu.memory_space<vmem>>) dst(%dma_wait3A_102 : memref<512xf32, #tpu.memory_space<vmem_shared>>)
        tpu.yield
      }) : () -> ()
    } else {
    }
    %barrier3A = arith.constant 0 : index
    tpu.barrier barrier_id(%barrier3A)
    tpu.enqueue_dma source(%arg22 : memref<2048xf32, #tpu.memory_space<vmem_shared>>) target(%arg18 : memref<2048xf32, #tpu.memory_space<vmem>>) target_semaphore(%arg23 : memref<!tpu.dma_semaphore, #tpu.memory_space<semaphore_mem>>)
    tpu.wait_dma2 semaphore(%arg23 : memref<!tpu.dma_semaphore, #tpu.memory_space<semaphore_mem>>) src(%arg22 : memref<2048xf32, #tpu.memory_space<vmem_shared>>) dst(%arg18 : memref<2048xf32, #tpu.memory_space<vmem>>)
    %dma_wait3A = tpu.memref_slice %arg2[%mul3A_2] : memref<16384xi32, #tpu.memory_space<hbm>> -> memref<512xi32, #tpu.memory_space<hbm>>
    %dma_wait3A_23 = tpu.memref_slice %arg2[%mul3A_2] : memref<16384xi32, #tpu.memory_space<hbm>> -> memref<512xi32, #tpu.memory_space<hbm>>
    tpu.wait_dma2 semaphore(%arg24 : memref<!tpu.dma_semaphore, #tpu.memory_space<semaphore_mem>>) src(%dma_wait3A_23 : memref<512xi32, #tpu.memory_space<hbm>>) dst(%arg19 : memref<512xi32, #tpu.memory_space<vmem>>)
    %dma_wait3A_24 = tpu.memref_slice %arg3[%mul3A_2] : memref<16384xi32, #tpu.memory_space<hbm>> -> memref<512xi32, #tpu.memory_space<hbm>>
    %dma_wait3A_25 = tpu.memref_slice %arg3[%mul3A_2] : memref<16384xi32, #tpu.memory_space<hbm>> -> memref<512xi32, #tpu.memory_space<hbm>>
    tpu.wait_dma2 semaphore(%arg24 : memref<!tpu.dma_semaphore, #tpu.memory_space<semaphore_mem>>) src(%dma_wait3A_25 : memref<512xi32, #tpu.memory_space<hbm>>) dst(%arg20 : memref<512xi32, #tpu.memory_space<vmem>>)
    %parallel_loop3A = arith.constant 0 : i32
    %parallel_loop3A_26 = arith.constant 512 : i32
    %parallel_loop3A_27 = arith.constant 16 : i32
    scf.for %parallel_loop3A_28 = %parallel_loop3A to %parallel_loop3A_26 step %parallel_loop3A_27  : i32 {
      %parallel_loop3A_29 = arith.index_cast %parallel_loop3A_28 : i32 to index
      %parallel_loop3A_30 = tpu.vector_load %arg19[%parallel_loop3A_29] {strides = array<i32>} : memref<512xi32, #tpu.memory_space<vmem>>, vector<16xi32>,
      %parallel_loop3A_31 = arith.constant 1 : i32
      %parallel_loop3A_32 = vector.broadcast %parallel_loop3A_31 : i32 to vector<16xi32>
      %parallel_loop3A_33 = arith.subi %parallel_loop3A_30, %parallel_loop3A_32 : vector<16xi32>
      %parallel_loop3A_34 = tpu.vector_load_idx %arg18[%parallel_loop3A_33] : memref<2048xf32, #tpu.memory_space<vmem>>[vector<16xi32>], vector<16xf32>,
      %parallel_loop3A_35 = arith.index_cast %parallel_loop3A_28 : i32 to index
      %parallel_loop3A_36 = tpu.vector_load %arg20[%parallel_loop3A_35] {strides = array<i32>} : memref<512xi32, #tpu.memory_space<vmem>>, vector<16xi32>,
      %parallel_loop3A_37 = arith.constant 1023 : i32
      %parallel_loop3A_38 = vector.broadcast %parallel_loop3A_37 : i32 to vector<16xi32>
      %parallel_loop3A_39 = arith.addi %parallel_loop3A_36, %parallel_loop3A_38 : vector<16xi32>
      %parallel_loop3A_40 = tpu.vector_load_idx %arg18[%parallel_loop3A_39] : memref<2048xf32, #tpu.memory_space<vmem>>[vector<16xi32>], vector<16xf32>,
      %parallel_loop3A_41 = arith.addf %parallel_loop3A_34, %parallel_loop3A_40 : vector<16xf32>
      %parallel_loop3A_42 = arith.index_cast %parallel_loop3A_28 : i32 to index
      %parallel_loop3A_43 = tpu.vector_load %arg21[%parallel_loop3A_42] {strides = array<i32>} : memref<512xf32, #tpu.memory_space<vmem>>, vector<16xf32>,
      tpu.vector_store %arg21[%parallel_loop3A_42], %parallel_loop3A_41 {strides = array<i32>} : memref<512xf32, #tpu.memory_space<vmem>>, vector<16xf32>,
    } {sc.loop_unroll_factor = 4 : i64, sc.parallel_access}
    "tpu.region"() ({
      %run_scoped3A = tpu.sem_alloc : memref<!tpu.dma_semaphore, #tpu.memory_space<semaphore_mem>>
      %dma_start3A_28 = tpu.memref_slice %arg12[%mul3A_2] : memref<16384xf32, #tpu.memory_space<hbm>> -> memref<512xf32, #tpu.memory_space<hbm>>
      %dma_start3A_29 = tpu.memref_slice %arg12[%mul3A_2] : memref<16384xf32, #tpu.memory_space<hbm>> -> memref<512xf32, #tpu.memory_space<hbm>>
      tpu.enqueue_dma source(%arg21 : memref<512xf32, #tpu.memory_space<vmem>>) target(%dma_start3A_29 : memref<512xf32, #tpu.memory_space<hbm>>) target_semaphore(%run_scoped3A : memref<!tpu.dma_semaphore, #tpu.memory_space<semaphore_mem>>)
      %dma_wait3A_30 = tpu.memref_slice %arg12[%mul3A_2] : memref<16384xf32, #tpu.memory_space<hbm>> -> memref<512xf32, #tpu.memory_space<hbm>>
      %dma_wait3A_31 = tpu.memref_slice %arg12[%mul3A_2] : memref<16384xf32, #tpu.memory_space<hbm>> -> memref<512xf32, #tpu.memory_space<hbm>>
      tpu.wait_dma2 semaphore(%run_scoped3A : memref<!tpu.dma_semaphore, #tpu.memory_space<semaphore_mem>>) src(%arg21 : memref<512xf32, #tpu.memory_space<vmem>>) dst(%dma_wait3A_31 : memref<512xf32, #tpu.memory_space<hbm>>)
      tpu.yield
    }) : () -> ()
    return
  }
}

</mosaic_0001>

<sc_bundles>
// kernel: kernel.3.cloned.1.call-start
scs
__scs_entry_jumppad:
0x0: {  	(pc) =	sbr.rel $0x88, $3  }
0x1: {  	(tag) =	ssettag $0x0;
	lr =	simm.s32 $0x1  }
0x2: {  	[smem:$0x3F97] =	sst lr;
	_ =	strace $0xD0000000  }
0x3: {  	_ = 	snop  }
0x4: {  	_ = 	snop  }
0x5: {  	_ = 	snop  }
0x6: {  	_ = 	snop  }
0x7: {  	_ = 	snop  }
__scs_overlays_trampoline_lowered:
0x8: {  	[smem:$0x3FA6] =	sst s0  }
0x9: {  	[smem:$0x3FA7] =	sst s1  }
0xa: {  	[smem:$0x3FA8] =	sst s2  }
0xb: {  	[smem:$0x3FA9] =	sst s3  }
0xc: {  	[smem:$0x3FAA] =	sst s4  }
0xd: {  	[smem:$0x3FAB] =	sst s5  }
0xe: {  	[smem:$0x3FAC] =	sst s6  }
0xf: {  	[smem:$0x3FAD] =	sst s7  }
0x10: {  	[smem:$0x3FAE] =	sst s8  }
0x11: {  	[smem:$0x3FAF] =	sst s9;
	s0 =	simm.s32 @!p0 $0x0  }
0x12: {  	s1 =	sld [smem:$0x3F95];
	s0 =	simm.s32 @p0 $0x1  }
0x13: {  	[smem:$0x3FB0] =	sst s0;
	s0 =	simm.s32 @!p1 $0x0  }
0x14: {  	s2 =	sld [smem:$0x3F94];
	s0 =	simm.s32 @p1 $0x1  }
0x15: {  	[smem:$0x3FB1] =	sst s0;
	s0 =	simm.s32 @!p2 $0x0  }
0x16: {  	s3 =	sld [smem:$0x3FDB];
	s0 =	simm.s32 @p2 $0x1  }
0x17: {  	s4 =	simm.s32 $0x1BF5;
	[smem:$0x3FB3] =	sst s0  }
0x18: {  	s0 =	sld [smem:$0x3F96];
	_ =	swait.ge [sflag:s4], $0x0  }
0x19: {  	s7 =	sld [smem:$0x3F97]  }
0x1a: {  	s8 =	sadd.s32 $0xFFFFE003, lr  }
0x1b: {  	s9 =	sadd.s32 $0xFFFFFEF7, lr;
	s5 =	simm.s32 $0xFFFFFFFF;
	p2 =	slt.u32 s8, $0xFFFFF086  }
0x1c: {  	p1 =	slt.u32 s9, $0xF7A;
	s5 =	simm.s32 @!p2 $0x0  }
0x1d: {  	s5 =	simm.s32 @p1 $0x1;
	p0 =	seq.s32 s7, s2  }
0x1e: {  	s7 =	smul.u32 @!p0 $0xF7A, s2;
	p2 =	seq.s32 @!p0 s5, $0x0  }
0x1f: {  	s9 =	smul.u32 $0xF7A, s1;
	s8 =	simm.s32 @!p0 $0x1BF5;
	p2 =	por !p2, p0  }
0x20: {  	[sflag:s8] =	ssyncset.s32 @!p0 $0xFFFFF086;
	s6 =	sadd.s32 @!p0 s3, s7;
	s7 =	simm.s32 @!p0 $0x108  }
0x21: {  	s3 =	sadd.s32 s3, s9;
	s6 =	sadd.s32 @!p0 $0x88, s6;
	s7 =	simm.s32 @p2 $0x1082  }
0x22: {  	[simem:s7], [sflag:s8] =	dma.local @!p0 [hbm:s6], $0xF7A  }
0x23: {  	s9 =	sor.u32 $0xD0000000, s2;
	s6 =	simm.s32 $0x108;
	_ =	swait.ge @!p0 [sflag:s8], $0x0  }
0x24: {  	s3 =	sadd.s32 $0x88, s3;
	s6 =	simm.s32 @!p1 $0x1082;
	[sflag:s4] =	ssyncset.s32 $0xFFFFF086  }
0x25: {  	[simem:s6], [sflag:s4] =	dma.local [hbm:s3], $0xF7A  }
0x26: {  	[smem:$0x3F97] =	sst s1;
	(tag) =	ssettag s2;
	_ =	strace s9  }
0x27: {  	s1 =	sld [smem:$0x3FA7]  }
0x28: {  	s2 =	sld [smem:$0x3FA8]  }
0x29: {  	s4 =	sld [smem:$0x3FAA]  }
0x2a: {  	p0 =	seq.s32 s5, $0x0;
	s5 =	sld [smem:$0x3FAB]  }
0x2b: {  	s6 =	sld [smem:$0x3FAC]  }
0x2c: {  	s7 =	sld [smem:$0x3FAD]  }
0x2d: {  	s3 =	simm.s32 $0x108;
	s8 =	sld [smem:$0x3FAE]  }
0x2e: {  	s3 =	simm.s32 @!p0 $0x1082;
	s9 =	sld [smem:$0x3FAF]  }
0x2f: {  	lr =	sadd.s32 s0, s3;
	s0 =	sld [smem:$0x3FA6]  }
0x30: {  	s3 =	sld [smem:$0x3FA9]  }
0x31: {  	[smem:$0x3FB2] =	sst s10  }
0x32: {  	s10 =	sld [smem:$0x3FB0];
	_ =	sdelay $0x3  }
0x33: {  	p0 =	seq.s32 s10, $0x1;
	s10 =	sld [smem:$0x3FB2];
	_ =	sdelay $0x3  }
0x34: {  	[smem:$0x3FB2] =	sst s10  }
0x35: {  	s10 =	sld [smem:$0x3FB1];
	_ =	sdelay $0x3  }
0x36: {  	p1 =	seq.s32 s10, $0x1;
	s10 =	sld [smem:$0x3FB2];
	_ =	sdelay $0x3  }
0x37: {  	[smem:$0x3FB2] =	sst s10  }
0x38: {  	s10 =	sld [smem:$0x3FB3]  }
0x39: {  	_ = 	snop;
	(pc) =	sbr.ind lr, $3  }
0x3a: {  	_ = 	snop  }
0x3b: {  	_ = 	snop  }
0x3c: {  	p2 =	seq.s32 s10, $0x1;
	s10 =	sld [smem:$0x3FB2]  }
0x3d: {  	_ =	shalt  }
0x3e: {  	_ =	shalt  }
0x3f: {  	_ =	shalt  }
0x40: {  	_ =	shalt  }
0x41: {  	_ =	shalt  }
0x42: {  	_ =	shalt  }
0x43: {  	_ =	shalt  }
0x44: {  	_ =	shalt  }
0x45: {  	_ =	shalt  }
0x46: {  	_ =	shalt  }
0x47: {  	_ =	shalt  }
0x48: {  	_ =	shalt  }
0x49: {  	_ =	shalt  }
0x4a: {  	_ =	shalt  }
0x4b: {  	_ =	shalt  }
0x4c: {  	_ =	shalt  }
0x4d: {  	_ =	shalt  }
0x4e: {  	_ =	shalt  }
0x4f: {  	_ =	shalt  }
0x50: {  	_ =	shalt  }
0x51: {  	_ =	shalt  }
0x52: {  	_ =	shalt  }
0x53: {  	_ =	shalt  }
0x54: {  	_ =	shalt  }
0x55: {  	_ =	shalt  }
0x56: {  	_ =	shalt  }
0x57: {  	_ =	shalt  }
0x58: {  	_ =	shalt  }
0x59: {  	_ =	shalt  }
0x5a: {  	_ =	shalt  }
0x5b: {  	_ =	shalt  }
0x5c: {  	_ =	shalt  }
0x5d: {  	_ =	shalt  }
0x5e: {  	_ =	shalt  }
0x5f: {  	_ =	shalt  }
0x60: {  	_ =	shalt  }
0x61: {  	_ =	shalt  }
0x62: {  	_ =	shalt  }
0x63: {  	_ =	shalt  }
0x64: {  	_ =	shalt  }
0x65: {  	_ =	shalt  }
0x66: {  	_ =	shalt  }
0x67: {  	_ =	shalt  }
0x68: {  	_ =	shalt  }
0x69: {  	_ =	shalt  }
0x6a: {  	_ =	shalt  }
0x6b: {  	_ =	shalt  }
0x6c: {  	_ =	shalt  }
0x6d: {  	_ =	shalt  }
0x6e: {  	_ =	shalt  }
0x6f: {  	_ =	shalt  }
0x70: {  	_ =	shalt  }
0x71: {  	_ =	shalt  }
0x72: {  	_ =	shalt  }
0x73: {  	_ =	shalt  }
0x74: {  	_ =	shalt  }
0x75: {  	_ =	shalt  }
0x76: {  	_ =	shalt  }
0x77: {  	_ =	shalt  }
0x78: {  	_ =	shalt  }
0x79: {  	_ =	shalt  }
0x7a: {  	_ =	shalt  }
0x7b: {  	_ =	shalt  }
0x7c: {  	_ =	shalt  }
0x7d: {  	_ =	shalt  }
0x7e: {  	_ =	shalt  }
0x7f: {  	_ =	shalt  }
0x80: {  	_ =	shalt  }
0x81: {  	_ =	shalt  }
0x82: {  	_ =	shalt  }
0x83: {  	_ =	shalt  }
0x84: {  	_ =	shalt  }
0x85: {  	_ =	shalt  }
0x86: {  	_ =	shalt  }
0x87: {  	_ =	shalt  }
.Lfunc_end0:
.L_simem_size_0:
called_computation_lowered:
.L_overlay_start_0:
0x88: {  	s2 =	sld [smem:$0x3FD9]  }
0x89: {  	s3 =	sld [smem:$0x3FFE];
	_ =	sdelay $0x1  }
0x8a: {  	s1 =	srdreg.scid  }
0x8b: {  	s0 =	sand.u32 $0x1, s1  }
0x8c: {  	s18 =	sshll.u32 s0, $0xA;
	s2 =	sadd.s32 s3, s2  }
0x8d: {  	s2 =	sadd.s32 s2, s18  }
0x8e: {  	[smem:$0x3FBE] =	sst s2  }
0x8f: {  	_ = 	snop  }
0x90: {  	s2 =	sld [smem:$0x3FC9]  }
0x91: {  	s19 =	sld [smem:$0x3FC8]  }
0x92: {  	s4 =	sld [smem:$0x3FC7]  }
0x93: {  	s5 =	sld [smem:$0x3FC6]  }
0x94: {  	s6 =	sld [smem:$0x3FC5]  }
0x95: {  	s7 =	sld [smem:$0x3FC4]  }
0x96: {  	s8 =	sld [smem:$0x3FC3]  }
0x97: {  	s9 =	sld [smem:$0x3FC2]  }
0x98: {  	s10 =	sld [smem:$0x3FC1]  }
0x99: {  	s11 =	sld [smem:$0x3FC0]  }
0x9a: {  	s12 =	sld [smem:$0x3FD0];
	(tm) =	ssettm $0x1  }
0x9b: {  	s13 =	sld [smem:$0x3FFB];
	_ =	sdelay $0x3  }
0x9c: {  	_ =	strace s13  }
0x9d: {  	s13 =	sld [smem:$0x3FFC];
	_ =	sdelay $0x3  }
0x9e: {  	_ =	strace s13  }
0x9f: {  	s13 =	sld [smem:$0x3FFD];
	_ =	sdelay $0x3  }
0xa0: {  	_ =	strace s13  }
0xa1: {  	_ =	strace $0x8FFFFFFF  }
0xa2: {  	s20 =	sld [smem:$0x3FDB];
	_ =	sdelay $0x1  }
0xa3: {  	s14 =	simm.s32 $_scs_section_size  }
0xa4: {  	s15 =	simm.s32 $_size__tile_overlayer_lowered;
	s16 =	simm.s32 $_tile_overlayer_lowered  }
0xa5: {  	s23 =	simm.s32 $0x1BFF;
	s22 =	sshll.u32 s16, $0x1;
	s13 =	sadd.s32 s14, s20  }
0xa6: {  	s17 =	simm.s32 $0x0;
	s21 =	sshll.u32 s15, $0x1;
	s15 =	sadd.s32 s22, s13  }
0xa7: {  	[timem:s17], [sflag:s23] =	dma.local [hbm:s15], s21  }
0xa8: {  	_ =	swait.ge [sflag:s23], s21  }
0xa9: {  	s14 =	ssub.s32 $0x0, s21;
	[sflag:s23] =	ssyncset.done $0x0  }
0xaa: {  	[sflag:s23] =	ssyncadd.s32 s14;
	_ =	sdelay $0x1  }
0xab: {  	s24 =	simm.s32 $0x1B8B  }
0xac: {  	_ =	swait.ge [sflag:s24], $0x1  }
0xad: {  	[sflag:s24] =	ssyncset.done $0x0  }
0xae: {  	s25 =	simm.s32 $0x1B8E;
	[sflag:s24] =	ssyncadd.s32 $0xFFFFFFFF  }
0xaf: {  	s26 =	simm.s32 $execute0_lowered;
	[smem:$0x3FD2] =	sst s25  }
0xb0: {  	s14 =	sshll.u32 s26, $0x1;
	_ =	strace $0x80000046;
	[dreg:$0x1] =	wrdreg $0xFFFFFFFF  }
0xb1: {  	s28 =	simm.s32 $_size_execute0_lowered;
	s13 =	sadd.s32 s13, s14;
	[dreg:$0x0] =	wrdreg $0x0  }
0xb2: {  	s14 =	sshll.u32 s28, $0x1;
	[dreg:$0x2] =	wrdreg s13  }
0xb3: {  	[dreg:$0x3] =	wrdreg s14  }
0xb4: {  	[dreg:$0x4] =	wrdreg $0xC0  }
0xb5: {  	_ =	task [dreg:s17], $0x5FFFF  }
0xb6: {  	[dreg:$0x1] =	wrdreg $0xFFFFFFFF  }
0xb7: {  	[dreg:$0x0] =	wrdreg $0x60  }
0xb8: {  	[dreg:$0x2] =	wrdreg s2  }
0xb9: {  	[dreg:$0x3] =	wrdreg s19  }
0xba: {  	[dreg:$0x4] =	wrdreg s4  }
0xbb: {  	[dreg:$0x5] =	wrdreg s5  }
0xbc: {  	[dreg:$0x6] =	wrdreg s6  }
0xbd: {  	[dreg:$0x7] =	wrdreg s7  }
0xbe: {  	[dreg:$0x8] =	wrdreg s8  }
0xbf: {  	[dreg:$0x9] =	wrdreg s9  }
0xc0: {  	[dreg:$0xa] =	wrdreg s10  }
0xc1: {  	[dreg:$0xb] =	wrdreg s11  }
0xc2: {  	[dreg:$0xc] =	wrdreg s12  }
0xc3: {  	[dreg:$0xd] =	wrdreg $0x18000  }
0xc4: {  	[dreg:$0xe] =	wrdreg $0x9  }
0xc5: {  	_ =	task.clear_ibuf [dreg:s17], $0xFFFFF;
	_ =	strace $0x90000046  }
0xc6: {  	s29 =	simm.s32 $0x9;
	_ =	strace $0x80000048  }
0xc7: {  	_ =	swait.ge [sflag:s29], $0x1  }
0xc8: {  	[sflag:s29] =	ssyncadd.s32 $0xFFFFFFFF  }
0xc9: {  	_ =	strace $0x90000048  }
0xca: {  	_ =	sfence  }
0xcb: {  	s30 =	sld [smem:$0x0];
	_ =	sdelay $0x2  }
0xcc: {  	s31 =	sshll.u32 s1, $0xD;
	s1 =	sshrl.u32 s1, $0x2  }
0xcd: {  	s3 =	sand.u32 $0x4000, s31;
	s1 =	sadd.s32 s1, s30  }
0xce: {  	s0 =	sor.u32 s3, s0;
	s1 =	sshll.u32 s1, $0x11  }
0xcf: {  	s0 =	sor.u32 s1, s0  }
0xd0: {  	s0 =	sadd.s32 $0x8F2B, s0  }
0xd1: {  	[sflag:s0] =	ssyncadd.remote.s32 $0x1  }
0xd2: {  	_ =	sfence.sel $0xFFFF  }
0xd3: {  	[dreg:$0x0] =	wrdreg $0xFFFFFFFF;
	(pc) =	sbr.abs _section_cstart, $3  }
0xd4: {  	[dreg:$0x1] =	wrdreg $0xFFFFFFFF  }
0xd5: {  	_ =	task.clear_ibuf [dreg:s17], $0x2FFFF;
	_ =	strace $0x9FFFFFFF  }
0xd6: {  	(tm) =	ssettm $0x7FFFFFFF  }
0xd7: {  	_ =	shalt  }
tec
execute0_lowered:
.L_overlay_start_1:
0x0: {  	(tag) =	ssettag $0x1  }
0x1: {  	s0 =	rddreg [dreg:$0x0]  }
0x2: {  	s1 =	rddreg [dreg:$0x1]  }
0x3: {  	s7 =	rddreg [dreg:$0x2]  }
0x4: {  	s8 =	rddreg [dreg:$0x3]  }
0x5: {  	s10 =	rddreg [dreg:$0x4]  }
0x6: {  	s15 =	rddreg [dreg:$0x5]  }
0x7: {  	s16 =	rddreg [dreg:$0x6]  }
0x8: {  	s17 =	rddreg [dreg:$0x7]  }
0x9: {  	s18 =	rddreg [dreg:$0x8]  }
0xa: {  	s24 =	rddreg [dreg:$0x9]  }
0xb: {  	s2 =	rddreg [dreg:$0xa]  }
0xc: {  	s9 =	rddreg [dreg:$0xb]  }
0xd: {  	s11 =	simm.s32 $0x0;
	s3 =	srdreg.scid;
	s26 =	stileid.u32  }
0xe: {  	s28 =	simm.s32 $0x1200;
	s29 =	simm.s32 $0x1400;
	s30 =	simm.s32 $0x200  }
0xf: {  	s31 =	simm.s32 $0x400;
	[smem:$0x7FF] =	sst s11;
	s3 =	sand.u32 $0x1, s3  }
0x10: {  	s5 =	sshll.u32 s26, $0x7;
	s14 =	sadd.s32 $0x400, s9;
	s21 =	sadd.s32 $0x40, s7  }
0x11: {  	s22 =	sadd.s32 $0x40, s10;
	s23 =	sadd.s32 $0x40, s15;
	s25 =	sadd.s32 $0x40, s18  }
0x12: {  	s19 =	sadd.s32 $0x200, s9;
	s20 =	sadd.s32 $0x40, s8;
	s24 =	sadd.s32 $0x40, s24  }
0x13: {  	p0 =	sgt.s32 s26, $0x1;
	p1 =	seq.s32 s26, $0x0;
	p2 =	seq.s32 s26, $0x1  }
0x14: {  	p3 =	seq.s32 s26, $0x2;
	_ =	strace $0x80000047;
	[dreg:$0xd] =	wrdreg s21  }
0x15: {  	p4 =	seq.s32 s26, $0x3;
	s26 =	sadd.s32 $0x600, s9;
	[dreg:$0xe] =	wrdreg s22  }
0x16: {  	s10 =	simm.s32 $0x1;
	s4 =	ssub.s32 $0x2, s3;
	[dreg:$0xf] =	wrdreg s23  }
0x17: {  	s3 =	sshll.u32 s3, $0x6;
	[dreg:$0x10] =	wrdreg s25;
	s21 =	sadd.s32 $0x40, s16  }
0x18: {  	s22 =	sadd.s32 $0x40, s17;
	s6 =	sshrl.u32 s4, $0x1;
	s3 =	sor.u32 s3, s5  }
0x19: {  	s5 =	simm.s32 $0x1600;
	s4 =	ssub.s32 s4, s6;
	s12 =	sadd.s32 s0, s3  }
0x1a: {  	s13 =	sadd.s32 s1, s3;
	s23 =	sadd.s32 s2, s3;
	s0 =	simm.s32 $0x800  }
0x1b: {  	s1 =	simm.s32 $0x3;
	s2 =	simm.s32 $0xA00;
	s3 =	simm.s32 $0x2  }
0x1c: {  	s6 =	simm.s32 $0x0;
	s25 =	smax.u32 s4, $0x1;
	s4 =	simm.s32 $0x600  }
.LBB2_1:
.Ltmp0:
0x1d: {  	(pc) =	sbr.rel @p0 .LBB2_7-.Ltmp0, $4  }
0x1e: {  	_ = 	snop  }
0x1f: {  	[tilespmem:s28], [sflag:$0x2] =	stream.linear.gather [hbm4b:s12+s11], $0x200, $0x38;
	[tilespmem:$0x1880] =	vst v63  }
0x20: {  	_ = 	snop  }
0x21: {  	[tilespmem:s29], [sflag:$0x2] =	stream.linear.gather [hbm4b:s13+s11], $0x200, $0x38;
	[tilespmem:$0x1880] =	vst v63  }
.Ltmp1:
0x22: {  	(pc) =	sbr.rel @p1 .LBB2_12-.Ltmp1, $1  }
0x23: {  	_ =	sdelay $0x3  }
.Ltmp2:
0x24: {  	(pc) =	sbr.rel @!p2 .LBB2_19-.Ltmp2, $1  }
0x25: {  	_ =	sdelay $0x3  }
0x26: {  	s7 =	rddreg [dreg:$0xd]  }
0x27: {  	[tilespmem:s11], [sflag:$0x1] =	stream.linear.gather [hbm4b:s7+s11], $0x1E8, $0x38;
	[tilespmem:$0x1880] =	vst v63  }
0x28: {  	s16 =	rddreg [dreg:$0xe]  }
0x29: {  	[tilespmem:s30], [sflag:$0x1] =	stream.linear.gather [hbm4b:s16+s11], $0x1E8, $0x38;
	[tilespmem:$0x1880] =	vst v63  }
0x2a: {  	s17 =	rddreg [dreg:$0xf]  }
0x2b: {  	[tilespmem:s31], [sflag:$0x1] =	stream.linear.gather [hbm4b:s17+s11], $0x1E8, $0x38;
	[tilespmem:$0x1880] =	vst v63  }
0x2c: {  	s18 =	rddreg [dreg:$0x10]  }
0x2d: {  	[tilespmem:s4], [sflag:$0x1] =	stream.linear.gather [hbm4b:s18+s11], $0x1E8, $0x38;
	[tilespmem:$0x1880] =	vst v63  }
0x2e: {  	_ =	swait.ge [sflag:s10], $0x1E8  }
0x2f: {  	[sflag:s10] =	ssyncset.done $0x0  }
0x30: {  	[sflag:s10] =	ssyncadd.s32 $0xFFFFFE18  }
0x31: {  	_ =	swait.ge [sflag:s10], $0x1E8  }
0x32: {  	[sflag:s10] =	ssyncset.done $0x0  }
0x33: {  	[sflag:s10] =	ssyncadd.s32 $0xFFFFFE18  }
0x34: {  	_ =	swait.ge [sflag:s10], $0x1E8  }
0x35: {  	[sflag:s10] =	ssyncset.done $0x0  }
0x36: {  	[sflag:s10] =	ssyncadd.s32 $0xFFFFFE18  }
0x37: {  	_ =	swait.ge [sflag:s10], $0x1E8  }
0x38: {  	[sflag:s10] =	ssyncset.done $0x0  }
0x39: {  	s16 =	simm.s32 $0x220;
	[sflag:s10] =	ssyncadd.s32 $0xFFFFFE18  }
0x3a: {  	s7 =	simm.s32 $0x20;
	v0 =	vld [tilespmem:s16+$0x10]  }
0x3b: {  	v1 =	vld [tilespmem:s7+$0x10]  }
0x3c: {  	s8 =	simm.s32 $0x420;
	v3 =	vld [tilespmem:s16+$0xFFFFFFE0]  }
0x3d: {  	v2 =	vld [tilespmem:s8+$0x10]  }
0x3e: {  	s15 =	simm.s32 $0x620;
	v4 =	vld [tilespmem:s7+$0xFFFFFFE0]  }
0x3f: {  	v5 =	vld [tilespmem:s15+$0x10]  }
0x40: {  	v6 =	vld [tilespmem:s16+$0xFFFFFFF0]  }
0x41: {  	v7 =	vld [tilespmem:s7+$0xFFFFFFF0]  }
0x42: {  	v8 =	vld [tilespmem:s16+$0x0]  }
0x43: {  	v9 =	vld [tilespmem:s7+$0x0];
	v0 =	vmul.f32 v1, v0  }
0x44: {  	v10 =	vld [tilespmem:s8+$0xFFFFFFE0]  }
0x45: {  	v1 =	vadd.f32 v2, v0;
	v2 =	vld [tilespmem:s8+$0xFFFFFFF0]  }
0x46: {  	v0 =	vld [tilespmem:s8+$0x0]  }
0x47: {  	v11 =	vmul.f32 v4, v3;
	v3 =	vld [tilespmem:s15+$0xFFFFFFF0];
	v4 =	vmul.f32 v1, v5  }
0x48: {  	s16 =	simm.s32 $0x820;
	v6 =	vmul.f32 v7, v6;
	v1 =	vld [tilespmem:s15+$0x0]  }
0x49: {  	s17 =	simm.s32 $0x0;
	s18 =	simm.s32 $0x260;
	v7 =	vmul.f32 v9, v8;
	v5 =	vadd.f32 v10, v11;
	[tilespmem:s16+$0x10] =	vst v4;
	v4 =	vld [tilespmem:s15+$0xFFFFFFE0]  }
.LBB2_5:
0x4a: {  	v8 =	vld [tilespmem:s18+$0x10];
	v2 =	vadd.f32 v2, v6;
	s7 =	sadd.s32 $0x40, s7  }
0x4b: {  	s17 =	sadd.s32 $0x40, s17;
	v6 =	vld [tilespmem:s7+$0x10];
	v0 =	vadd.f32 v0, v7  }
0x4c: {  	s8 =	sadd.s32 $0x40, s8;
	p5 =	slt.u32 s17, $0x1C0;
	v7 =	vld [tilespmem:s18+$0xFFFFFFE0];
	v2 =	vmul.f32 v2, v3  }
0x4d: {  	v3 =	vld [tilespmem:s8+$0x10];
	v0 =	vmul.f32 v0, v1  }
0x4e: {  	s15 =	sadd.s32 $0x40, s15;
	v1 =	vld [tilespmem:s7+$0xFFFFFFE0];
	v4 =	vmul.f32 v5, v4;
	[tilespmem:s16+$0xFFFFFFF0] =	vst v2  }
0x4f: {  	v2 =	vld [tilespmem:s15+$0x10];
	[tilespmem:s16+$0x0] =	vst v0  }
0x50: {  	v0 =	vld [tilespmem:s18+$0xFFFFFFF0];
	v5 =	vmul.f32 v6, v8;
	[tilespmem:s16+$0xFFFFFFE0] =	vst v4  }
0x51: {  	v4 =	vld [tilespmem:s7+$0xFFFFFFF0]  }
0x52: {  	v8 =	vld [tilespmem:s18+$0x0];
	v3 =	vadd.f32 v3, v5  }
0x53: {  	v5 =	vmul.f32 v1, v7;
	v7 =	vld [tilespmem:s7+$0x0]  }
0x54: {  	v9 =	vld [tilespmem:s8+$0xFFFFFFE0];
	v1 =	vmul.f32 v3, v2  }
.Ltmp3:
0x55: {  	s16 =	sadd.s32 $0x40, s16;
	v2 =	vld [tilespmem:s8+$0xFFFFFFF0];
	(pc) =	sbr.rel @p5 .LBB2_5-.Ltmp3, $4  }
0x56: {  	v6 =	vmul.f32 v4, v0;
	v0 =	vld [tilespmem:s8+$0x0];
	[tilespmem:s16+$0x10] =	vst v1  }
0x57: {  	v3 =	vld [tilespmem:s15+$0xFFFFFFF0]  }
0x58: {  	v1 =	vld [tilespmem:s15+$0x0];
	v7 =	vmul.f32 v7, v8  }
0x59: {  	s18 =	sadd.s32 $0x40, s18;
	v4 =	vld [tilespmem:s15+$0xFFFFFFE0];
	v5 =	vadd.f32 v9, v5  }
0x5a: {  	v2 =	vadd.f32 v2, v6  }
0x5b: {  	v0 =	vadd.f32 v0, v7  }
.Ltmp4:
0x5c: {  	v2 =	vmul.f32 v2, v3;
	(pc) =	sbr.rel .LBB2_18-.Ltmp4, $4  }
0x5d: {  	v0 =	vmul.f32 v0, v1  }
0x5e: {  	v63 =	vmul.f32 v5, v4;
	[tilespmem:s16+$0xFFFFFFF0] =	vst v2  }
0x5f: {  	[tilespmem:s16+$0x0] =	vst v0  }
0x60: {  	s7 =	smov.u32 s19;
	[tilespmem:s16+$0xFFFFFFE0] =	vst v63  }
.LBB2_7:
.Ltmp5:
0x61: {  	(pc) =	sbr.rel @p3 .LBB2_15-.Ltmp5, $1  }
0x62: {  	_ =	sdelay $0x3  }
.Ltmp6:
0x63: {  	(pc) =	sbr.rel @!p4 .LBB2_19-.Ltmp6, $1  }
0x64: {  	_ =	sdelay $0x3  }
0x65: {  	[tilespmem:s11], [sflag:$0x1] =	stream.linear.gather [hbm4b:s20+s11], $0x1E8, $0x38;
	[tilespmem:$0x1880] =	vst v63  }
0x66: {  	_ = 	snop  }
0x67: {  	[tilespmem:s30], [sflag:$0x1] =	stream.linear.gather [hbm4b:s21+s11], $0x1E8, $0x38;
	[tilespmem:$0x1880] =	vst v63  }
0x68: {  	_ = 	snop  }
0x69: {  	[tilespmem:s31], [sflag:$0x1] =	stream.linear.gather [hbm4b:s22+s11], $0x1E8, $0x38;
	[tilespmem:$0x1880] =	vst v63  }
0x6a: {  	_ = 	snop  }
0x6b: {  	[tilespmem:s4], [sflag:$0x1] =	stream.linear.gather [hbm4b:s24+s11], $0x1E8, $0x38;
	[tilespmem:$0x1880] =	vst v63  }
0x6c: {  	_ =	swait.ge [sflag:s10], $0x1E8  }
0x6d: {  	[sflag:s10] =	ssyncset.done $0x0  }
0x6e: {  	[sflag:s10] =	ssyncadd.s32 $0xFFFFFE18  }
0x6f: {  	_ =	swait.ge [sflag:s10], $0x1E8  }
0x70: {  	[sflag:s10] =	ssyncset.done $0x0  }
0x71: {  	[sflag:s10] =	ssyncadd.s32 $0xFFFFFE18  }
0x72: {  	_ =	swait.ge [sflag:s10], $0x1E8  }
0x73: {  	[sflag:s10] =	ssyncset.done $0x0  }
0x74: {  	[sflag:s10] =	ssyncadd.s32 $0xFFFFFE18  }
0x75: {  	_ =	swait.ge [sflag:s10], $0x1E8  }
0x76: {  	[sflag:s10] =	ssyncset.done $0x0  }
0x77: {  	s16 =	simm.s32 $0x220;
	[sflag:s10] =	ssyncadd.s32 $0xFFFFFE18  }
0x78: {  	s7 =	simm.s32 $0x20;
	v0 =	vld [tilespmem:s16+$0x10]  }
0x79: {  	v1 =	vld [tilespmem:s7+$0x10]  }
0x7a: {  	s8 =	simm.s32 $0x420;
	v3 =	vld [tilespmem:s16+$0xFFFFFFE0]  }
0x7b: {  	v2 =	vld [tilespmem:s8+$0x10]  }
0x7c: {  	s15 =	simm.s32 $0x620;
	v4 =	vld [tilespmem:s7+$0xFFFFFFE0]  }
0x7d: {  	v5 =	vld [tilespmem:s15+$0x10]  }
0x7e: {  	v6 =	vld [tilespmem:s16+$0xFFFFFFF0]  }
0x7f: {  	v7 =	vld [tilespmem:s7+$0xFFFFFFF0]  }
0x80: {  	v8 =	vld [tilespmem:s16+$0x0]  }
0x81: {  	v9 =	vld [tilespmem:s7+$0x0];
	v0 =	vmul.f32 v1, v0  }
0x82: {  	v10 =	vld [tilespmem:s8+$0xFFFFFFE0]  }
0x83: {  	v1 =	vadd.f32 v2, v0;
	v2 =	vld [tilespmem:s8+$0xFFFFFFF0]  }
0x84: {  	v0 =	vld [tilespmem:s8+$0x0]  }
0x85: {  	v11 =	vmul.f32 v4, v3;
	v3 =	vld [tilespmem:s15+$0xFFFFFFF0];
	v4 =	vmul.f32 v1, v5  }
0x86: {  	s16 =	simm.s32 $0x820;
	v6 =	vmul.f32 v7, v6;
	v1 =	vld [tilespmem:s15+$0x0]  }
0x87: {  	s17 =	simm.s32 $0x0;
	s18 =	simm.s32 $0x260;
	v7 =	vmul.f32 v9, v8;
	v5 =	vadd.f32 v10, v11;
	[tilespmem:s16+$0x10] =	vst v4;
	v4 =	vld [tilespmem:s15+$0xFFFFFFE0]  }
.LBB2_10:
0x88: {  	v8 =	vld [tilespmem:s18+$0x10];
	v2 =	vadd.f32 v2, v6;
	s7 =	sadd.s32 $0x40, s7  }
0x89: {  	s17 =	sadd.s32 $0x40, s17;
	v6 =	vld [tilespmem:s7+$0x10];
	v0 =	vadd.f32 v0, v7  }
0x8a: {  	s8 =	sadd.s32 $0x40, s8;
	p5 =	slt.u32 s17, $0x1C0;
	v7 =	vld [tilespmem:s18+$0xFFFFFFE0];
	v2 =	vmul.f32 v2, v3  }
0x8b: {  	v3 =	vld [tilespmem:s8+$0x10];
	v0 =	vmul.f32 v0, v1  }
0x8c: {  	s15 =	sadd.s32 $0x40, s15;
	v1 =	vld [tilespmem:s7+$0xFFFFFFE0];
	v4 =	vmul.f32 v5, v4;
	[tilespmem:s16+$0xFFFFFFF0] =	vst v2  }
0x8d: {  	v2 =	vld [tilespmem:s15+$0x10];
	[tilespmem:s16+$0x0] =	vst v0  }
0x8e: {  	v0 =	vld [tilespmem:s18+$0xFFFFFFF0];
	v5 =	vmul.f32 v6, v8;
	[tilespmem:s16+$0xFFFFFFE0] =	vst v4  }
0x8f: {  	v4 =	vld [tilespmem:s7+$0xFFFFFFF0]  }
0x90: {  	v8 =	vld [tilespmem:s18+$0x0];
	v3 =	vadd.f32 v3, v5  }
0x91: {  	v5 =	vmul.f32 v1, v7;
	v7 =	vld [tilespmem:s7+$0x0]  }
0x92: {  	v9 =	vld [tilespmem:s8+$0xFFFFFFE0];
	v1 =	vmul.f32 v3, v2  }
.Ltmp7:
0x93: {  	s16 =	sadd.s32 $0x40, s16;
	v2 =	vld [tilespmem:s8+$0xFFFFFFF0];
	(pc) =	sbr.rel @p5 .LBB2_10-.Ltmp7, $4  }
0x94: {  	v6 =	vmul.f32 v4, v0;
	v0 =	vld [tilespmem:s8+$0x0];
	[tilespmem:s16+$0x10] =	vst v1  }
0x95: {  	v3 =	vld [tilespmem:s15+$0xFFFFFFF0]  }
0x96: {  	v1 =	vld [tilespmem:s15+$0x0];
	v7 =	vmul.f32 v7, v8  }
0x97: {  	s18 =	sadd.s32 $0x40, s18;
	v4 =	vld [tilespmem:s15+$0xFFFFFFE0];
	v5 =	vadd.f32 v9, v5  }
0x98: {  	v2 =	vadd.f32 v2, v6  }
0x99: {  	v0 =	vadd.f32 v0, v7  }
.Ltmp8:
0x9a: {  	v2 =	vmul.f32 v2, v3;
	(pc) =	sbr.rel .LBB2_18-.Ltmp8, $4  }
0x9b: {  	v0 =	vmul.f32 v0, v1  }
0x9c: {  	v63 =	vmul.f32 v5, v4;
	[tilespmem:s16+$0xFFFFFFF0] =	vst v2  }
0x9d: {  	[tilespmem:s16+$0x0] =	vst v0  }
0x9e: {  	s7 =	smov.u32 s26;
	[tilespmem:s16+$0xFFFFFFE0] =	vst v63  }
.LBB2_12:
0x9f: {  	s7 =	rddreg [dreg:$0x2]  }
0xa0: {  	[tilespmem:s11], [sflag:$0x1] =	stream.linear.gather [hbm4b:s7+s11], $0x200, $0x38;
	[tilespmem:$0x1880] =	vst v63  }
0xa1: {  	s16 =	rddreg [dreg:$0x4]  }
0xa2: {  	[tilespmem:s30], [sflag:$0x1] =	stream.linear.gather [hbm4b:s16+s11], $0x200, $0x38;
	[tilespmem:$0x1880] =	vst v63  }
0xa3: {  	s17 =	rddreg [dreg:$0x5]  }
0xa4: {  	[tilespmem:s31], [sflag:$0x1] =	stream.linear.gather [hbm4b:s17+s11], $0x200, $0x38;
	[tilespmem:$0x1880] =	vst v63  }
0xa5: {  	s18 =	rddreg [dreg:$0x8]  }
0xa6: {  	[tilespmem:s4], [sflag:$0x1] =	stream.linear.gather [hbm4b:s18+s11], $0x200, $0x38;
	[tilespmem:$0x1880] =	vst v63  }
0xa7: {  	_ =	swait.ge [sflag:s10], $0x200  }
0xa8: {  	[sflag:s10] =	ssyncset.done $0x0  }
0xa9: {  	[sflag:s10] =	ssyncadd.s32 $0xFFFFFE00  }
0xaa: {  	_ =	swait.ge [sflag:s10], $0x200  }
0xab: {  	[sflag:s10] =	ssyncset.done $0x0  }
0xac: {  	[sflag:s10] =	ssyncadd.s32 $0xFFFFFE00  }
0xad: {  	_ =	swait.ge [sflag:s10], $0x200  }
0xae: {  	[sflag:s10] =	ssyncset.done $0x0  }
0xaf: {  	[sflag:s10] =	ssyncadd.s32 $0xFFFFFE00  }
0xb0: {  	_ =	swait.ge [sflag:s10], $0x200  }
0xb1: {  	[sflag:s10] =	ssyncset.done $0x0  }
0xb2: {  	s16 =	simm.s32 $0x220;
	[sflag:s10] =	ssyncadd.s32 $0xFFFFFE00  }
0xb3: {  	s7 =	simm.s32 $0x20;
	v0 =	vld [tilespmem:s16+$0x10]  }
0xb4: {  	v1 =	vld [tilespmem:s7+$0x10]  }
0xb5: {  	s8 =	simm.s32 $0x420;
	v3 =	vld [tilespmem:s16+$0xFFFFFFE0]  }
0xb6: {  	v2 =	vld [tilespmem:s8+$0x10]  }
0xb7: {  	s15 =	simm.s32 $0x620;
	v4 =	vld [tilespmem:s7+$0xFFFFFFE0]  }
0xb8: {  	v5 =	vld [tilespmem:s15+$0x10]  }
0xb9: {  	v6 =	vld [tilespmem:s16+$0xFFFFFFF0]  }
0xba: {  	v7 =	vld [tilespmem:s7+$0xFFFFFFF0]  }
0xbb: {  	v8 =	vld [tilespmem:s16+$0x0]  }
0xbc: {  	v9 =	vld [tilespmem:s7+$0x0];
	v0 =	vmul.f32 v1, v0  }
0xbd: {  	v10 =	vld [tilespmem:s8+$0xFFFFFFE0]  }
0xbe: {  	v1 =	vadd.f32 v2, v0;
	v2 =	vld [tilespmem:s8+$0xFFFFFFF0]  }
0xbf: {  	v0 =	vld [tilespmem:s8+$0x0]  }
0xc0: {  	v11 =	vmul.f32 v4, v3;
	v3 =	vld [tilespmem:s15+$0xFFFFFFF0];
	v4 =	vmul.f32 v1, v5  }
0xc1: {  	s16 =	simm.s32 $0x820;
	v6 =	vmul.f32 v7, v6;
	v1 =	vld [tilespmem:s15+$0x0]  }
0xc2: {  	s17 =	simm.s32 $0x0;
	s18 =	simm.s32 $0x260;
	v7 =	vmul.f32 v9, v8;
	v5 =	vadd.f32 v10, v11;
	[tilespmem:s16+$0x10] =	vst v4;
	v4 =	vld [tilespmem:s15+$0xFFFFFFE0]  }
.LBB2_13:
0xc3: {  	v8 =	vld [tilespmem:s18+$0x10];
	v2 =	vadd.f32 v2, v6;
	s7 =	sadd.s32 $0x40, s7  }
0xc4: {  	s17 =	sadd.s32 $0x40, s17;
	v6 =	vld [tilespmem:s7+$0x10];
	v0 =	vadd.f32 v0, v7  }
0xc5: {  	s8 =	sadd.s32 $0x40, s8;
	p5 =	slt.u32 s17, $0x1C0;
	v7 =	vld [tilespmem:s18+$0xFFFFFFE0];
	v2 =	vmul.f32 v2, v3  }
0xc6: {  	v3 =	vld [tilespmem:s8+$0x10];
	v0 =	vmul.f32 v0, v1  }
0xc7: {  	s15 =	sadd.s32 $0x40, s15;
	v1 =	vld [tilespmem:s7+$0xFFFFFFE0];
	v4 =	vmul.f32 v5, v4;
	[tilespmem:s16+$0xFFFFFFF0] =	vst v2  }
0xc8: {  	v2 =	vld [tilespmem:s15+$0x10];
	[tilespmem:s16+$0x0] =	vst v0  }
0xc9: {  	v0 =	vld [tilespmem:s18+$0xFFFFFFF0];
	v5 =	vmul.f32 v6, v8;
	[tilespmem:s16+$0xFFFFFFE0] =	vst v4  }
0xca: {  	v4 =	vld [tilespmem:s7+$0xFFFFFFF0]  }
0xcb: {  	v8 =	vld [tilespmem:s18+$0x0];
	v3 =	vadd.f32 v3, v5  }
0xcc: {  	v5 =	vmul.f32 v1, v7;
	v7 =	vld [tilespmem:s7+$0x0]  }
0xcd: {  	v9 =	vld [tilespmem:s8+$0xFFFFFFE0];
	v1 =	vmul.f32 v3, v2  }
.Ltmp9:
0xce: {  	s16 =	sadd.s32 $0x40, s16;
	v2 =	vld [tilespmem:s8+$0xFFFFFFF0];
	(pc) =	sbr.rel @p5 .LBB2_13-.Ltmp9, $4  }
0xcf: {  	v6 =	vmul.f32 v4, v0;
	v0 =	vld [tilespmem:s8+$0x0];
	[tilespmem:s16+$0x10] =	vst v1  }
0xd0: {  	v3 =	vld [tilespmem:s15+$0xFFFFFFF0]  }
0xd1: {  	v1 =	vld [tilespmem:s15+$0x0];
	v7 =	vmul.f32 v7, v8  }
0xd2: {  	s18 =	sadd.s32 $0x40, s18;
	v4 =	vld [tilespmem:s15+$0xFFFFFFE0];
	v5 =	vadd.f32 v9, v5  }
0xd3: {  	v2 =	vadd.f32 v2, v6  }
0xd4: {  	v0 =	vadd.f32 v0, v7  }
.Ltmp10:
0xd5: {  	v2 =	vmul.f32 v2, v3;
	(pc) =	sbr.rel .LBB2_18-.Ltmp10, $4  }
0xd6: {  	v0 =	vmul.f32 v0, v1  }
0xd7: {  	v63 =	vmul.f32 v5, v4;
	[tilespmem:s16+$0xFFFFFFF0] =	vst v2  }
0xd8: {  	[tilespmem:s16+$0x0] =	vst v0  }
0xd9: {  	s7 =	smov.u32 s9;
	[tilespmem:s16+$0xFFFFFFE0] =	vst v63  }
.LBB2_15:
0xda: {  	s7 =	rddreg [dreg:$0x3]  }
0xdb: {  	[tilespmem:s11], [sflag:$0x1] =	stream.linear.gather [hbm4b:s7+s11], $0x200, $0x38;
	[tilespmem:$0x1880] =	vst v63  }
0xdc: {  	s16 =	rddreg [dreg:$0x6]  }
0xdd: {  	[tilespmem:s30], [sflag:$0x1] =	stream.linear.gather [hbm4b:s16+s11], $0x200, $0x38;
	[tilespmem:$0x1880] =	vst v63  }
0xde: {  	s17 =	rddreg [dreg:$0x7]  }
0xdf: {  	[tilespmem:s31], [sflag:$0x1] =	stream.linear.gather [hbm4b:s17+s11], $0x200, $0x38;
	[tilespmem:$0x1880] =	vst v63  }
0xe0: {  	s18 =	rddreg [dreg:$0x9]  }
0xe1: {  	[tilespmem:s4], [sflag:$0x1] =	stream.linear.gather [hbm4b:s18+s11], $0x200, $0x38;
	[tilespmem:$0x1880] =	vst v63  }
0xe2: {  	_ =	swait.ge [sflag:s10], $0x200  }
0xe3: {  	[sflag:s10] =	ssyncset.done $0x0  }
0xe4: {  	[sflag:s10] =	ssyncadd.s32 $0xFFFFFE00  }
0xe5: {  	_ =	swait.ge [sflag:s10], $0x200  }
0xe6: {  	[sflag:s10] =	ssyncset.done $0x0  }
0xe7: {  	[sflag:s10] =	ssyncadd.s32 $0xFFFFFE00  }
0xe8: {  	_ =	swait.ge [sflag:s10], $0x200  }
0xe9: {  	[sflag:s10] =	ssyncset.done $0x0  }
0xea: {  	[sflag:s10] =	ssyncadd.s32 $0xFFFFFE00  }
0xeb: {  	_ =	swait.ge [sflag:s10], $0x200  }
0xec: {  	[sflag:s10] =	ssyncset.done $0x0  }
0xed: {  	s16 =	simm.s32 $0x220;
	[sflag:s10] =	ssyncadd.s32 $0xFFFFFE00  }
0xee: {  	s7 =	simm.s32 $0x20;
	v0 =	vld [tilespmem:s16+$0x10]  }
0xef: {  	v1 =	vld [tilespmem:s7+$0x10]  }
0xf0: {  	s8 =	simm.s32 $0x420;
	v3 =	vld [tilespmem:s16+$0xFFFFFFE0]  }
0xf1: {  	v2 =	vld [tilespmem:s8+$0x10]  }
0xf2: {  	s15 =	simm.s32 $0x620;
	v4 =	vld [tilespmem:s7+$0xFFFFFFE0]  }
0xf3: {  	v5 =	vld [tilespmem:s15+$0x10]  }
0xf4: {  	v6 =	vld [tilespmem:s16+$0xFFFFFFF0]  }
0xf5: {  	v7 =	vld [tilespmem:s7+$0xFFFFFFF0]  }
0xf6: {  	v8 =	vld [tilespmem:s16+$0x0]  }
0xf7: {  	v9 =	vld [tilespmem:s7+$0x0];
	v0 =	vmul.f32 v1, v0  }
0xf8: {  	v10 =	vld [tilespmem:s8+$0xFFFFFFE0]  }
0xf9: {  	v1 =	vadd.f32 v2, v0;
	v2 =	vld [tilespmem:s8+$0xFFFFFFF0]  }
0xfa: {  	v0 =	vld [tilespmem:s8+$0x0]  }
0xfb: {  	v11 =	vmul.f32 v4, v3;
	v3 =	vld [tilespmem:s15+$0xFFFFFFF0];
	v4 =	vmul.f32 v1, v5  }
0xfc: {  	s16 =	simm.s32 $0x820;
	v6 =	vmul.f32 v7, v6;
	v1 =	vld [tilespmem:s15+$0x0]  }
0xfd: {  	s17 =	simm.s32 $0x0;
	s18 =	simm.s32 $0x260;
	v7 =	vmul.f32 v9, v8;
	v5 =	vadd.f32 v10, v11;
	[tilespmem:s16+$0x10] =	vst v4;
	v4 =	vld [tilespmem:s15+$0xFFFFFFE0]  }
.LBB2_16:
0xfe: {  	v8 =	vld [tilespmem:s18+$0x10];
	v2 =	vadd.f32 v2, v6;
	s7 =	sadd.s32 $0x40, s7  }
0xff: {  	s17 =	sadd.s32 $0x40, s17;
	v6 =	vld [tilespmem:s7+$0x10];
	v0 =	vadd.f32 v0, v7  }
0x100: {  	s8 =	sadd.s32 $0x40, s8;
	p5 =	slt.u32 s17, $0x1C0;
	v7 =	vld [tilespmem:s18+$0xFFFFFFE0];
	v2 =	vmul.f32 v2, v3  }
0x101: {  	v3 =	vld [tilespmem:s8+$0x10];
	v0 =	vmul.f32 v0, v1  }
0x102: {  	s15 =	sadd.s32 $0x40, s15;
	v1 =	vld [tilespmem:s7+$0xFFFFFFE0];
	v4 =	vmul.f32 v5, v4;
	[tilespmem:s16+$0xFFFFFFF0] =	vst v2  }
0x103: {  	v2 =	vld [tilespmem:s15+$0x10];
	[tilespmem:s16+$0x0] =	vst v0  }
0x104: {  	v0 =	vld [tilespmem:s18+$0xFFFFFFF0];
	v5 =	vmul.f32 v6, v8;
	[tilespmem:s16+$0xFFFFFFE0] =	vst v4  }
0x105: {  	v4 =	vld [tilespmem:s7+$0xFFFFFFF0]  }
0x106: {  	v8 =	vld [tilespmem:s18+$0x0];
	v3 =	vadd.f32 v3, v5  }
0x107: {  	v5 =	vmul.f32 v1, v7;
	v7 =	vld [tilespmem:s7+$0x0]  }
0x108: {  	v9 =	vld [tilespmem:s8+$0xFFFFFFE0];
	v1 =	vmul.f32 v3, v2  }
.Ltmp11:
0x109: {  	s16 =	sadd.s32 $0x40, s16;
	v2 =	vld [tilespmem:s8+$0xFFFFFFF0];
	(pc) =	sbr.rel @p5 .LBB2_16-.Ltmp11, $4  }
0x10a: {  	v6 =	vmul.f32 v4, v0;
	v0 =	vld [tilespmem:s8+$0x0];
	[tilespmem:s16+$0x10] =	vst v1  }
0x10b: {  	v3 =	vld [tilespmem:s15+$0xFFFFFFF0]  }
0x10c: {  	v1 =	vld [tilespmem:s15+$0x0];
	v7 =	vmul.f32 v7, v8  }
0x10d: {  	s18 =	sadd.s32 $0x40, s18;
	v4 =	vld [tilespmem:s15+$0xFFFFFFE0];
	v5 =	vadd.f32 v9, v5  }
0x10e: {  	v2 =	vadd.f32 v2, v6  }
0x10f: {  	v0 =	vadd.f32 v0, v7  }
0x110: {  	v2 =	vmul.f32 v2, v3  }
0x111: {  	v0 =	vmul.f32 v0, v1  }
0x112: {  	v63 =	vmul.f32 v5, v4;
	[tilespmem:s16+$0xFFFFFFF0] =	vst v2  }
0x113: {  	[tilespmem:s16+$0x0] =	vst v0  }
0x114: {  	s7 =	smov.u32 s14;
	[tilespmem:s16+$0xFFFFFFE0] =	vst v63  }
.LBB2_18:
0x115: {  	[spmem:s7] =	stream.linear.scatter [tilespmem:s0], [sflag:$0x3], $0x200, $0x38;
	[tilespmem:$0x1880] =	vst v63  }
0x116: {  	_ =	swait.ge [sflag:s1], $0x200  }
0x117: {  	[sflag:s1] =	ssyncset.done $0x0  }
0x118: {  	[sflag:s1] =	ssyncadd.s32 $0xFFFFFE00  }
.LBB2_19:
0x119: {  	[bflag:$0x0] =	sbarrier.arrive $0xFFFF  }
0x11a: {  	[tilespmem:s2], [sflag:$0x1] =	stream.linear.gather [spmem:s9], $0x800, $0x38;
	[tilespmem:$0x1880] =	vst v63  }
0x11b: {  	_ =	swait.ge [sflag:s10], $0x800  }
0x11c: {  	[sflag:s10] =	ssyncset.done $0x0  }
0x11d: {  	[sflag:s10] =	ssyncadd.s32 $0xFFFFF800  }
0x11e: {  	_ =	swait.ge [sflag:s3], $0x200  }
0x11f: {  	[sflag:s3] =	ssyncset.done $0x0  }
0x120: {  	[sflag:s3] =	ssyncadd.s32 $0xFFFFFE00  }
0x121: {  	_ =	swait.ge [sflag:s3], $0x200  }
0x122: {  	[sflag:s3] =	ssyncset.done $0x0  }
0x123: {  	s7 =	simm.s32 $0x1220;
	[sflag:s3] =	ssyncadd.s32 $0xFFFFFE00  }
0x124: {  	s8 =	simm.s32 $0x1420;
	v0 =	vld [tilespmem:s7+$0x10]  }
0x125: {  	v1 =	vld [tilespmem:s8+$0x10]  }
0x126: {  	v2 =	vld [tilespmem:s8+$0xFFFFFFE0]  }
0x127: {  	v3 =	vld [tilespmem:s7+$0xFFFFFFF0]  }
0x128: {  	v5 =	vld [tilespmem:s7+$0x0]  }
0x129: {  	v4 =	vld [tilespmem:s8+$0xFFFFFFF0]  }
0x12a: {  	v6 =	vld [tilespmem:s8+$0x0]  }
0x12b: {  	s18 =	simm.s32 $0x1260;
	v7 =	vld [tilespmem:s7+$0xFFFFFFE0];
	v2 =	vadd.s32 $0x3FF, v2  }
0x12c: {  	v11 =	vld [tilespmem:s18+$0xFFFFFFF0];
	v3 =	vadd.s32 $0xFFFFFFFF, v3  }
0x12d: {  	v13 =	vld [tilespmem:s18+$0x0];
	v5 =	vadd.s32 $0xFFFFFFFF, v5  }
0x12e: {  	s7 =	simm.s32 $0x1460;
	v16 =	vld [tilespmem:s18+$0xFFFFFFE0]  }
0x12f: {  	v9 =	vld [tilespmem:s7+$0xFFFFFFE0]  }
0x130: {  	v8 =	vld.idx.msk [tilespmem:v2+s2+$0x0], $0xffff  }
0x131: {  	v2 =	vld.idx.msk [tilespmem:v3+s2+$0x0], $0xffff  }
0x132: {  	v4 =	vadd.s32 $0x3FF, v4;
	v10 =	vld.idx.msk [tilespmem:v5+s2+$0x0], $0xffff  }
0x133: {  	v0 =	vadd.s32 $0xFFFFFFFF, v0;
	v3 =	vld [tilespmem:s18+$0x10]  }
0x134: {  	v1 =	vadd.s32 $0x3FF, v1;
	v5 =	vld [tilespmem:s7+$0x10]  }
0x135: {  	v12 =	vld [tilespmem:s7+$0xFFFFFFF0];
	v7 =	vadd.s32 $0xFFFFFFFF, v7  }
0x136: {  	v14 =	vld [tilespmem:s7+$0x0];
	v6 =	vadd.s32 $0x3FF, v6  }
0x137: {  	v11 =	vadd.s32 $0xFFFFFFFF, v11;
	v4 =	vld.idx.msk [tilespmem:v4+s2+$0x0], $0xffff  }
0x138: {  	v0 =	vld.idx.msk [tilespmem:v0+s2+$0x0], $0xffff;
	v3 =	vadd.s32 $0xFFFFFFFF, v3  }
0x139: {  	v1 =	vld.idx.msk [tilespmem:v1+s2+$0x0], $0xffff;
	v15 =	vadd.s32 $0x3FF, v5  }
0x13a: {  	v9 =	vadd.s32 $0x3FF, v9;
	v17 =	vld.idx.msk [tilespmem:v7+s2+$0x0], $0xffff  }
0x13b: {  	v7 =	vadd.s32 $0x3FF, v12;
	v63 =	vld.idx.msk [tilespmem:v6+s2+$0x0], $0xffff  }
0x13c: {  	v13 =	vadd.s32 $0xFFFFFFFF, v13;
	v2 =	vadd.f32 v4, v2;
	v4 =	vld.idx.msk [tilespmem:v11+s2+$0x0], $0xffff  }
0x13d: {  	v5 =	vld.idx.msk [tilespmem:v3+s2+$0x0], $0xffff  }
0x13e: {  	v0 =	vadd.f32 v1, v0;
	v6 =	vld.idx.msk [tilespmem:v15+s2+$0x0], $0xffff  }
0x13f: {  	s8 =	simm.s32 $0x1620;
	v3 =	vld.idx.msk [tilespmem:v9+s2+$0x0], $0xffff  }
0x140: {  	v7 =	vld.idx.msk [tilespmem:v7+s2+$0x0], $0xffff;
	[tilespmem:s8+$0x10] =	vst v0;
	v9 =	vadd.f32 v8, v17  }
0x141: {  	s15 =	simm.s32 $0x40;
	s16 =	simm.s32 $0x12A0;
	v1 =	vadd.s32 $0x3FF, v14;
	[tilespmem:s8+$0xFFFFFFF0] =	vst v2;
	v2 =	vadd.s32 $0xFFFFFFFF, v16;
	v0 =	vld.idx.msk [tilespmem:v13+s2+$0x0], $0xffff;
	v8 =	vadd.f32 v63, v10  }
.LBB2_20:
0x142: {  	v10 =	vld [tilespmem:s16+$0x10];
	s7 =	sadd.s32 $0x40, s7;
	[tilespmem:s8+$0xFFFFFFE0] =	vst v9  }
0x143: {  	s15 =	sadd.s32 $0x40, s15;
	v5 =	vadd.f32 v6, v5;
	v9 =	vld [tilespmem:s7+$0x10];
	[tilespmem:s8+$0x0] =	vst v8  }
0x144: {  	p5 =	slt.u32 s15, $0x1C0;
	s8 =	sadd.s32 $0x40, s8;
	v8 =	vmov v3;
	v6 =	vld [tilespmem:s7+$0xFFFFFFE0]  }
0x145: {  	v3 =	vld [tilespmem:s16+$0xFFFFFFF0];
	[tilespmem:s8+$0x10] =	vst v5  }
0x146: {  	v4 =	vadd.f32 v7, v4;
	v5 =	vld [tilespmem:s7+$0xFFFFFFF0]  }
0x147: {  	v7 =	vld [tilespmem:s16+$0x0];
	v10 =	vadd.s32 $0xFFFFFFFF, v10  }
0x148: {  	v11 =	vld [tilespmem:s7+$0x0];
	v9 =	vadd.s32 $0x3FF, v9;
	[tilespmem:s8+$0xFFFFFFF0] =	vst v4  }
0x149: {  	v4 =	vld [tilespmem:s16+$0xFFFFFFE0];
	v12 =	vadd.s32 $0x3FF, v6  }
0x14a: {  	v13 =	vadd.s32 $0xFFFFFFFF, v3;
	v14 =	vld.idx.msk [tilespmem:v2+s2+$0x0], $0xffff  }
0x14b: {  	v15 =	vadd.s32 $0x3FF, v5;
	v16 =	vld.idx.msk [tilespmem:v1+s2+$0x0], $0xffff  }
0x14c: {  	v17 =	vadd.s32 $0xFFFFFFFF, v7;
	v5 =	vld.idx.msk [tilespmem:v10+s2+$0x0], $0xffff  }
.Ltmp12:
0x14d: {  	v1 =	vadd.s32 $0x3FF, v11;
	v6 =	vld.idx.msk [tilespmem:v9+s2+$0x0], $0xffff;
	(pc) =	sbr.rel @p5 .LBB2_20-.Ltmp12, $4  }
0x14e: {  	v2 =	vadd.s32 $0xFFFFFFFF, v4;
	v3 =	vld.idx.msk [tilespmem:v12+s2+$0x0], $0xffff  }
0x14f: {  	v4 =	vld.idx.msk [tilespmem:v13+s2+$0x0], $0xffff  }
0x150: {  	v9 =	vadd.f32 v8, v14;
	v7 =	vld.idx.msk [tilespmem:v15+s2+$0x0], $0xffff  }
0x151: {  	s16 =	sadd.s32 $0x40, s16;
	v8 =	vadd.f32 v16, v0;
	v0 =	vld.idx.msk [tilespmem:v17+s2+$0x0], $0xffff  }
0x152: {  	_ =	sdelay $0x3  }
0x153: {  	v2 =	vld.idx.msk [tilespmem:v2+s2+$0x0], $0xffff  }
0x154: {  	v1 =	vld.idx.msk [tilespmem:v1+s2+$0x0], $0xffff;
	_ =	sdelay $0x1  }
0x155: {  	[tilespmem:s8+$0xFFFFFFE0] =	vst v9;
	v5 =	vadd.f32 v6, v5  }
0x156: {  	s7 =	sadd.s32 $0x40, s8;
	[tilespmem:s8+$0x0] =	vst v8;
	v4 =	vadd.f32 v7, v4  }
0x157: {  	[tilespmem:s7+$0x10] =	vst v5;
	v2 =	vadd.f32 v3, v2  }
0x158: {  	s6 =	sadd.s32 $0x1, s6;
	[tilespmem:s7+$0xFFFFFFF0] =	vst v4;
	v0 =	vadd.f32 v1, v0  }
0x159: {  	p5 =	sne.s32 s6, s25;
	[tilespmem:s7+$0xFFFFFFE0] =	vst v2  }
.Ltmp13:
0x15a: {  	[tilespmem:s7+$0x0] =	vst v0;
	(pc) =	sbr.rel @p5 .LBB2_1-.Ltmp13, $4  }
0x15b: {  	[hbm4b:s23+s11] =	stream.linear.scatter [tilespmem:s5], [sflag:$0x3], $0x200, $0x38;
	[tilespmem:$0x1880] =	vst v63  }
0x15c: {  	_ =	swait.ge [sflag:s1], $0x200  }
0x15d: {  	[sflag:s1] =	ssyncset.done $0x0  }
0x15e: {  	[sflag:s1] =	ssyncadd.s32 $0xFFFFFE00  }
0x15f: {  	_ =	sfence.sel $0x180000  }
0x160: {  	[bflag:$0x0] =	sbarrier.arrive $0xFFFF  }
0x161: {  	_ =	strace $0x90000047  }
0x162: {  	s0 =	stileid.u32;
	[bflag:$0x2] =	sbarrier.arrive $0xFFFF  }
0x163: {  	p0 =	sne.s32 s0, $0x0;
	s0 =	rddreg [dreg:$0xc]  }
0x164: {  	s0 =	sadd.s32 @!p0 $0x100000, s0  }
0x165: {  	[sflag:s0] =	ssyncadd.tile.s32 @!p0 $0x1;
	_ =	shalt  }
.Lfunc_end2:
_tile_overlayer_lowered:
.L_overlay_start_2:
0x166: {  	(tag) =	ssettag $0x2  }
0x167: {  	s0 =	rddreg [dreg:$0x0];
	s2 =	stileid.u32  }
0x168: {  	s1 =	rddreg [dreg:$0x1];
	p0 =	sne.s32 s2, $0x0  }
0x169: {  	s3 =	rddreg [dreg:$0x2];
	[bflag:$0x3] =	sbarrier.arrive $0xFFFF;
	s2 =	simm.s32 @!p0 $0x1C03  }
0x16a: {  	[timem:s3], [sflag:s2] =	dma.local @!p0 [hbm:s0], s1  }
0x16b: {  	s0 =	simm.s32 @!p0 $0x3  }
0x16c: {  	_ =	swait.ge @!p0 [sflag:s0], s1  }
0x16d: {  	s1 =	ssub.s32 @!p0 $0x0, s1;
	[sflag:s0] =	ssyncset.done @!p0 $0x0  }
0x16e: {  	[sflag:s0] =	ssyncadd.s32 @!p0 s1  }
0x16f: {  	[bflag:$0x3] =	sbarrier.arrive $0xFFFF  }
0x170: {  	_ =	shalt  }

</sc_bundles>
